<compile_context>
chip_gen: v7x
topology: tpu7x:2x2x1
jax: 0.10.2.dev20260603
libtpu: 0.0.44.dev20260713+nightly
codegen_flags: <defaults>
</compile_context>

<pallas_src>
import jax
import jax.numpy as jnp
from jax.experimental import pallas as pl
from jax.experimental.pallas import tpu as pltpu

N_IN, N_HID, N_ACT = 64, 512, 16
N = N_IN + N_HID + N_ACT + 1
NSRC = N_IN + N_HID
NTGT = N_HID + N_ACT
E0 = NSRC * NTGT
ET = N - 1
CH_N, CH_E, CC = 12, 8, 8
MAXV = 100.0
EPR = 128 // CH_E
RPS = NTGT // EPR
S_BLK = 96
RB = S_BLK * RPS


def _edge_kernel(e_ref, ns_ref, ntp_ref, od_ref, idp_ref,
                 w1s_ref, w1d0_ref, k1e_ref, k1t_ref, k1d1_ref, b1t_ref,
                 kab_ref, b2abt_ref, wa_ref, kb_ref, eye32t_ref,
                 sel_a_ref, sel_b_ref, ind_s_ref,
                 ne_ref, agga_ref, aggb_ref, c_sc):
    sb = pl.program_id(1)
    f32 = jnp.float32

    @pl.when(sb == 0)
    def _():
        cq = (jnp.dot(ntp_ref[0], k1t_ref[...], preferred_element_type=f32)
              + jnp.dot(idp_ref[...], k1d1_ref[...],
                        preferred_element_type=f32)
              + b1t_ref[...])
        c_sc[...] = jnp.tile(cq, (S_BLK, 1))

    a = (jnp.dot(ns_ref[0], w1s_ref[...], preferred_element_type=f32)
         + od_ref[...] * w1d0_ref[...])
    a_t = jnp.dot(a, eye32t_ref[...], preferred_element_type=f32)
    a_b = jnp.dot(ind_s_ref[...], a_t, preferred_element_type=f32)

    em = e_ref[0]
    h = jnp.maximum(
        jnp.dot(em, k1e_ref[...], preferred_element_type=f32)
        + a_b + c_sc[...], 0.0)
    ne_ref[0] = jnp.clip(
        em + jnp.dot(h, kab_ref[...], preferred_element_type=f32)
        + b2abt_ref[...], -MAXV, MAXV)
    agga_ref[0] = jnp.dot(
        sel_a_ref[...], jnp.dot(h, wa_ref[...], preferred_element_type=f32),
        preferred_element_type=f32)
    pb = jnp.dot(
        sel_b_ref[...], jnp.dot(h, kb_ref[...], preferred_element_type=f32),
        preferred_element_type=f32)

    @pl.when(sb == 0)
    def _():
        aggb_ref[0] = pb

    @pl.when(sb != 0)
    def _():
        aggb_ref[0] += pb


def _finish_kernel(n_ref, et_ref, agga_ref, aggb_ref, od_ref, id_ref, cn_ref,
                   w1s_ref, w1t_ref, w1e_ref, w1d_ref, b1_ref, w2_ref, b2_ref,
                   uw1_ref, ub1_ref, uw2_ref, ub2_ref,
                   nn_ref, net_ref):
    n = n_ref[0]
    od = od_ref[...]
    idg = id_ref[...]
    b2 = b2_ref[...]
    ct = (jnp.dot(n, w1t_ref[...], preferred_element_type=jnp.float32)
          + idg * w1d_ref[1:2] + b1_ref[...])
    a_last = (jnp.dot(n[N - 1:N], w1s_ref[...],
                      preferred_element_type=jnp.float32)
              + od[N - 1:N] * w1d_ref[0:1])
    et = et_ref[0]
    h = jnp.maximum(
        jnp.dot(et, w1e_ref[...], preferred_element_type=jnp.float32)
        + ct[0:ET] + a_last, 0.0)
    m = (jnp.dot(h, w2_ref[...], preferred_element_type=jnp.float32)
         + b2)
    net_ref[0] = jnp.clip(et + m[:, 2 * CC:3 * CC], -MAXV, MAXV)
    agg_a = jnp.concatenate([
        agga_ref[0] + NTGT * b2[:, 0:CC],
        jnp.zeros((N_ACT, CC), jnp.float32),
        jnp.sum(m[:, 0:CC], axis=0, keepdims=True),
    ], axis=0)
    mb = m[:, CC:2 * CC]
    agg_b = jnp.concatenate([
        mb[0:N_IN],
        aggb_ref[0] + NSRC * b2[:, CC:2 * CC] + mb[N_IN:ET],
        jnp.zeros((1, CC), jnp.float32),
    ], axis=0)
    agg_a = agg_a / jnp.maximum(od, 1.0)
    agg_b = agg_b / jnp.maximum(idg, 1.0)
    ux = jnp.concatenate([agg_a, agg_b, n], axis=1)
    hu = jnp.maximum(
        jnp.dot(ux, uw1_ref[...], preferred_element_type=jnp.float32)
        + ub1_ref[...], 0.0)
    upd = (jnp.dot(hu, uw2_ref[...], preferred_element_type=jnp.float32)
           + ub2_ref[...])
    nn_ref[0] = jnp.concatenate(
        [jnp.clip(n[:, 0:CC] + upd, -MAXV, MAXV), cn_ref[...]], axis=1)


def kernel(nodes, edges, sources, targets, out_degs, in_degs, const_n,
           msg_w1, msg_b1, msg_w2, msg_b2, upd_w1, upd_b1, upd_w2, upd_b2):
    B = nodes.shape[0]
    f32 = jnp.float32
    e16 = edges.reshape(B, edges.shape[1] * CH_E // 128, 128)
    edges_tail = edges[:, E0:]
    nodes_src = nodes[:, :NSRC]
    ntp = nodes[:, N_IN:N_IN + NTGT].reshape(B, RPS, EPR * CH_N)
    od_src = out_degs[:NSRC].reshape(NSRC, 1)
    idp = in_degs[N_IN:N_IN + NTGT].reshape(RPS, EPR)
    od_full = out_degs.reshape(N, 1)
    id_full = in_degs.reshape(N, 1)
    w1s = msg_w1[0:CH_N]
    w1t = msg_w1[CH_N:2 * CH_N]
    w1e = msg_w1[2 * CH_N:2 * CH_N + CH_E]
    w1d = msg_w1[2 * CH_N + CH_E:]
    b1 = msg_b1.reshape(1, -1)
    b2 = msg_b2.reshape(1, -1)
    ub1 = upd_b1.reshape(1, -1)
    ub2 = upd_b2.reshape(1, -1)

    eye16 = jnp.eye(EPR, dtype=f32)
    k1e = jnp.kron(eye16, w1e)
    k1t = jnp.kron(eye16, w1t)
    k1d1 = jnp.kron(eye16, w1d[1:2])
    b1t = jnp.tile(b1, (1, EPR))
    kab = jnp.kron(eye16, msg_w2[:, 2 * CC:])
    b2abt = jnp.tile(b2[:, 2 * CC:], (1, EPR))
    wa = jnp.kron(jnp.ones((EPR, 1), f32), msg_w2[:, 0:CC])
    kb = jnp.kron(eye16, msg_w2[:, CC:2 * CC])
    eye32t = jnp.tile(jnp.eye(32, dtype=f32), (1, EPR))
    sel_a = jnp.kron(jnp.eye(S_BLK, dtype=f32), jnp.ones((1, RPS), f32))
    sel_b = jnp.kron(jnp.ones((1, S_BLK), f32), jnp.eye(RPS, dtype=f32))
    ind_s = jnp.kron(jnp.eye(S_BLK, dtype=f32), jnp.ones((RPS, 1), f32))

    nsb = NSRC // S_BLK
    rep2 = lambda shape: pl.BlockSpec(shape, lambda b, s: (0,) * len(shape))
    ne16, agg_a, agg_b = pl.pallas_call(
        _edge_kernel,
        grid=(B, nsb),
        in_specs=[
            pl.BlockSpec((1, RB, 128), lambda b, s: (b, s, 0)),
            pl.BlockSpec((1, S_BLK, CH_N), lambda b, s: (b, s, 0)),
            pl.BlockSpec((1, RPS, EPR * CH_N), lambda b, s: (b, 0, 0)),
            pl.BlockSpec((S_BLK, 1), lambda b, s: (s, 0)),
            rep2((RPS, EPR)),
            rep2((CH_N, 32)), rep2((1, 32)),
            rep2((128, 512)), rep2((EPR * CH_N, 512)), rep2((EPR, 512)),
            rep2((1, 512)), rep2((512, 128)), rep2((1, 128)),
            rep2((512, CC)), rep2((512, 128)), rep2((32, 512)),
            rep2((S_BLK, RB)), rep2((RPS, RB)), rep2((RB, S_BLK)),
        ],
        out_specs=[
            pl.BlockSpec((1, RB, 128), lambda b, s: (b, s, 0)),
            pl.BlockSpec((1, S_BLK, CC), lambda b, s: (b, s, 0)),
            pl.BlockSpec((1, RPS, 128), lambda b, s: (b, 0, 0)),
        ],
        out_shape=[
            jax.ShapeDtypeStruct((B, E0 * CH_E // 128, 128), f32),
            jax.ShapeDtypeStruct((B, NSRC, CC), f32),
            jax.ShapeDtypeStruct((B, RPS, 128), f32),
        ],
        scratch_shapes=[pltpu.VMEM((RB, 512), f32)],
    )(e16, nodes_src, ntp, od_src, idp,
      w1s, w1d[0:1], k1e, k1t, k1d1, b1t, kab, b2abt, wa, kb, eye32t,
      sel_a, sel_b, ind_s)

    agg_b = agg_b.reshape(B, NTGT, CC)

    rep1 = lambda shape: pl.BlockSpec(shape, lambda b: (0,) * len(shape))
    new_nodes, ne_tail = pl.pallas_call(
        _finish_kernel,
        grid=(B,),
        in_specs=[
            pl.BlockSpec((1, N, CH_N), lambda b: (b, 0, 0)),
            pl.BlockSpec((1, ET, CH_E), lambda b: (b, 0, 0)),
            pl.BlockSpec((1, NSRC, CC), lambda b: (b, 0, 0)),
            pl.BlockSpec((1, NTGT, CC), lambda b: (b, 0, 0)),
            rep1((N, 1)), rep1((N, 1)), rep1((N, 4)),
            rep1((CH_N, 32)), rep1((CH_N, 32)), rep1((CH_E, 32)),
            rep1((2, 32)), rep1((1, 32)), rep1((32, 3 * CC)),
            rep1((1, 3 * CC)),
            rep1((28, 16)), rep1((1, 16)), rep1((16, CC)), rep1((1, CC)),
        ],
        out_specs=[
            pl.BlockSpec((1, N, CH_N), lambda b: (b, 0, 0)),
            pl.BlockSpec((1, ET, CH_E), lambda b: (b, 0, 0)),
        ],
        out_shape=[
            jax.ShapeDtypeStruct((B, N, CH_N), f32),
            jax.ShapeDtypeStruct((B, ET, CH_E), f32),
        ],
    )(nodes, edges_tail, agg_a, agg_b, od_full, id_full, const_n,
      w1s, w1t, w1e, w1d, b1, msg_w2, b2, upd_w1, ub1, upd_w2, ub2)

    new_edges = jnp.concatenate(
        [ne16.reshape(B, E0, CH_E), ne_tail], axis=1)
    return new_nodes, new_edges

# --- scband reference (transcript-rebuilt; emitter-appended) ---
"""Pipeline reference for scband-neural-graph-67087389163569 (READ-ONLY COPY).

The authoritative reference and input builder live on the scoring server;
editing this copy changes nothing except your own understanding.
"""

import jax, jax.numpy as jnp
import numpy as np

N_INPUTS, N_HID, N_ACTIONS = 64, 512, 16
N_NODES = N_INPUTS + N_HID + N_ACTIONS + 1
CH_N, CH_E, CH_N_CONST = 12, 8, 4
CH_CORE = CH_N - CH_N_CONST
BATCH = 4
MAX_VALUE = 100.0


def _graph():
    tgt_range = np.arange(N_INPUTS, N_INPUTS + N_HID + N_ACTIONS)
    s1 = np.repeat(np.arange(N_INPUTS), tgt_range.size)
    t1 = np.tile(tgt_range, N_INPUTS)
    s2 = np.repeat(np.arange(N_INPUTS, N_INPUTS + N_HID), tgt_range.size)
    t2 = np.tile(tgt_range, N_HID)
    s3 = np.full(N_NODES - 1, N_NODES - 1)
    t3 = np.arange(N_NODES - 1)
    sources = np.concatenate([s1, s2, s3]).astype(np.int32)
    targets = np.concatenate([t1, t2, t3]).astype(np.int32)
    return sources, targets


def setup_inputs(seed: int = 0) -> dict:
    key = jax.random.key(seed)
    ks = jax.random.split(key, 12)
    sources, targets = _graph()
    E = sources.size
    out_degs = np.bincount(sources, minlength=N_NODES).astype(np.float32)
    in_degs = np.bincount(targets, minlength=N_NODES).astype(np.float32)
    const_n = np.zeros((N_NODES, CH_N_CONST), np.float32)
    const_n[:N_INPUTS, 0] = 1.0
    const_n[N_INPUTS:N_INPUTS + N_HID, 1] = 1.0
    const_n[N_INPUTS + N_HID:N_INPUTS + N_HID + N_ACTIONS, 2] = 1.0
    const_n[-1, 3] = 1.0
    d_msg_in = 2 + 2 * CH_N + CH_E  # 34
    d_msg_out = 2 * CH_CORE + CH_E  # 24
    d_upd_in = 3 * CH_N - 2 * CH_N_CONST  # 28
    return {
        "nodes": jax.random.normal(ks[0], (BATCH, N_NODES, CH_N), jnp.float32),
        "edges": jax.random.normal(ks[1], (BATCH, E, CH_E), jnp.float32),
        "sources": jnp.asarray(sources),
        "targets": jnp.asarray(targets),
        "out_degs": jnp.asarray(out_degs),
        "in_degs": jnp.asarray(in_degs),
        "const_n": jnp.asarray(const_n),
        "msg_w1": jax.random.normal(ks[2], (d_msg_in, 32), jnp.float32) * 0.1,
        "msg_b1": jnp.zeros((32,), jnp.float32),
        "msg_w2": jax.random.normal(ks[3], (32, d_msg_out), jnp.float32) * 0.1,
        "msg_b2": jnp.zeros((d_msg_out,), jnp.float32),
        "upd_w1": jax.random.normal(ks[4], (d_upd_in, 16), jnp.float32) * 0.1,
        "upd_b1": jnp.zeros((16,), jnp.float32),
        "upd_w2": jax.random.normal(ks[5], (16, CH_CORE), jnp.float32) * 0.1,
        "upd_b2": jnp.zeros((CH_CORE,), jnp.float32),
    }


def reference(nodes, edges, sources, targets, out_degs, in_degs, const_n,
              msg_w1, msg_b1, msg_w2, msg_b2, upd_w1, upd_b1, upd_w2, upd_b2):
    B, E = edges.shape[0], edges.shape[1]
    N = nodes.shape[1]
    # message inputs: gather src/tgt node states + edge state + degrees
    m_x = jnp.concatenate([
        nodes[:, sources],
        nodes[:, targets],
        edges,
        jnp.broadcast_to(out_degs[sources][None, :, None], (B, E, 1)),
        jnp.broadcast_to(in_degs[targets][None, :, None], (B, E, 1)),
    ], axis=2)
    h = jax.nn.relu(m_x @ msg_w1 + msg_b1)
    m = h @ msg_w2 + msg_b2
    m_a = m[..., :CH_CORE]
    m_b = m[..., CH_CORE:2 * CH_CORE]
    m_ab = m[..., 2 * CH_CORE:]
    # scatter-add aggregation (index_add along node axis)
    agg_a = jnp.zeros((B, N, CH_CORE), nodes.dtype).at[:, sources].add(m_a)
    agg_b = jnp.zeros((B, N, CH_CORE), nodes.dtype).at[:, targets].add(m_b)
    # mean aggregation: divide by degree (guard zeros)
    agg_a = agg_a / jnp.maximum(out_degs, 1.0)[None, :, None]
    agg_b = agg_b / jnp.maximum(in_degs, 1.0)[None, :, None]
    u_x = jnp.concatenate([agg_a, agg_b, nodes], axis=2)
    update = jax.nn.relu(u_x @ upd_w1 + upd_b1) @ upd_w2 + upd_b2
    # node step (set_nodes=False, decay=0, dt=1), hard clamp
    new_core = jnp.clip(nodes[..., :CH_CORE] + update, -MAX_VALUE, MAX_VALUE)
    new_nodes = jnp.concatenate(
        [new_core, jnp.broadcast_to(const_n[None], (B, N, CH_N_CONST))], axis=2)
    # edge step (ch_e_const=0)
    new_edges = jnp.clip(edges + m_ab, -MAX_VALUE, MAX_VALUE)
    return new_nodes, new_edges

if __name__ == "__main__":
    import jax
    _d = setup_inputs()
    print(jax.jit(kernel)(*tuple(_d.values())))

</pallas_src>

<mosaic_0001>
module attributes {stable_mosaic.version = 14 : i64} {
  func.func @_edge_kernel(%arg0: i32, %arg1: i32, %arg2: memref<1x3168x128xf32, #tpu.memory_space<vmem>>, %arg3: memref<1x96x12xf32, #tpu.memory_space<vmem>>, %arg4: memref<1x33x192xf32, #tpu.memory_space<vmem>>, %arg5: memref<96x1xf32, #tpu.memory_space<vmem>>, %arg6: memref<33x16xf32, #tpu.memory_space<vmem>>, %arg7: memref<12x32xf32, #tpu.memory_space<vmem>>, %arg8: memref<1x32xf32, #tpu.memory_space<vmem>>, %arg9: memref<128x512xf32, #tpu.memory_space<vmem>>, %arg10: memref<192x512xf32, #tpu.memory_space<vmem>>, %arg11: memref<16x512xf32, #tpu.memory_space<vmem>>, %arg12: memref<1x512xf32, #tpu.memory_space<vmem>>, %arg13: memref<512x128xf32, #tpu.memory_space<vmem>>, %arg14: memref<1x128xf32, #tpu.memory_space<vmem>>, %arg15: memref<512x8xf32, #tpu.memory_space<vmem>>, %arg16: memref<512x128xf32, #tpu.memory_space<vmem>>, %arg17: memref<32x512xf32, #tpu.memory_space<vmem>>, %arg18: memref<96x3168xf32, #tpu.memory_space<vmem>>, %arg19: memref<33x3168xf32, #tpu.memory_space<vmem>>, %arg20: memref<3168x96xf32, #tpu.memory_space<vmem>>, %arg21: memref<1x3168x128xf32, #tpu.memory_space<vmem>>, %arg22: memref<1x96x8xf32, #tpu.memory_space<vmem>>, %arg23: memref<1x33x128xf32, #tpu.memory_space<vmem>>, %arg24: memref<3168x512xf32, #tpu.memory_space<vmem>>) attributes {dimension_semantics = [#tpu.dimension_semantics<arbitrary>, #tpu.dimension_semantics<arbitrary>], iteration_bounds = array<i64: 4, 6>, scalar_prefetch = 0 : i64, scratch_operands = 1 : i64, tpu.core_type = #tpu.core_type<tc>, window_params = [{transform_indices = @transform_0, window_bounds = array<i64: 1, 3168, 128>}, {transform_indices = @transform_1, window_bounds = array<i64: 1, 96, 12>}, {transform_indices = @transform_2, window_bounds = array<i64: 1, 33, 192>}, {transform_indices = @transform_3, window_bounds = array<i64: 96, 1>}, {pipeline_mode = #tpu.pipeline_mode<synchronous>, transform_indices = @transform_4, window_bounds = array<i64: 33, 16>}, {pipeline_mode = #tpu.pipeline_mode<synchronous>, transform_indices = @transform_5, window_bounds = array<i64: 12, 32>}, {pipeline_mode = #tpu.pipeline_mode<synchronous>, transform_indices = @transform_6, window_bounds = array<i64: 1, 32>}, {pipeline_mode = #tpu.pipeline_mode<synchronous>, transform_indices = @transform_7, window_bounds = array<i64: 128, 512>}, {pipeline_mode = #tpu.pipeline_mode<synchronous>, transform_indices = @transform_8, window_bounds = array<i64: 192, 512>}, {pipeline_mode = #tpu.pipeline_mode<synchronous>, transform_indices = @transform_9, window_bounds = array<i64: 16, 512>}, {pipeline_mode = #tpu.pipeline_mode<synchronous>, transform_indices = @transform_10, window_bounds = array<i64: 1, 512>}, {pipeline_mode = #tpu.pipeline_mode<synchronous>, transform_indices = @transform_11, window_bounds = array<i64: 512, 128>}, {pipeline_mode = #tpu.pipeline_mode<synchronous>, transform_indices = @transform_12, window_bounds = array<i64: 1, 128>}, {pipeline_mode = #tpu.pipeline_mode<synchronous>, transform_indices = @transform_13, window_bounds = array<i64: 512, 8>}, {pipeline_mode = #tpu.pipeline_mode<synchronous>, transform_indices = @transform_14, window_bounds = array<i64: 512, 128>}, {pipeline_mode = #tpu.pipeline_mode<synchronous>, transform_indices = @transform_15, window_bounds = array<i64: 32, 512>}, {pipeline_mode = #tpu.pipeline_mode<synchronous>, transform_indices = @transform_16, window_bounds = array<i64: 96, 3168>}, {pipeline_mode = #tpu.pipeline_mode<synchronous>, transform_indices = @transform_17, window_bounds = array<i64: 33, 3168>}, {pipeline_mode = #tpu.pipeline_mode<synchronous>, transform_indices = @transform_18, window_bounds = array<i64: 3168, 96>}, {transform_indices = @transform_19, window_bounds = array<i64: 1, 3168, 128>}, {transform_indices = @transform_20, window_bounds = array<i64: 1, 96, 8>}, {transform_indices = @transform_21, window_bounds = array<i64: 1, 33, 128>}]} {
    %eq3A = arith.constant 0 : i32
    %eq3A_0 = arith.cmpi eq, %arg1, %eq3A : i32
    %convert_element_type3A = arith.extui %eq3A_0 : i1 to i32
    %cond3A = arith.constant 0 : i32
    %cond3A_1 = arith.cmpi ne, %convert_element_type3A, %cond3A : i32
    scf.if %cond3A_1 {
      %get3A_100 = arith.constant 0 : index
      %get3A_101 = arith.constant 0 : index
      %get3A_102 = arith.constant 0 : index
      %get3A_103 = vector.load %arg4[%get3A_100, %get3A_101, %get3A_102] : memref<1x33x192xf32, #tpu.memory_space<vmem>>, vector<1x33x192xf32>
      %get3A_104 = vector.shape_cast %get3A_103 : vector<1x33x192xf32> to vector<33x192xf32>
      %get3A_105 = arith.constant 0 : index
      %get3A_106 = arith.constant 0 : index
      %get3A_107 = vector.load %arg10[%get3A_105, %get3A_106] : memref<192x512xf32, #tpu.memory_space<vmem>>, vector<192x512xf32>
      %dot_general3A_108 = arith.constant dense<0.000000e+00> : vector<33x512xf32>
      %dot_general3A_109 = tpu.matmul %get3A_104, %get3A_107, %dot_general3A_108 {dimension_numbers = #tpu.dot_dimension_numbers<[1], [0], [0], [1], [0, 0, 1, 1], [], []>, transpose_lhs_hint = false} : vector<33x192xf32>, vector<192x512xf32>, vector<33x512xf32> -> vector<33x512xf32>
      %get3A_110 = arith.constant 0 : index
      %get3A_111 = arith.constant 0 : index
      %get3A_112 = vector.load %arg6[%get3A_110, %get3A_111] : memref<33x16xf32, #tpu.memory_space<vmem>>, vector<33x16xf32>
      %get3A_113 = arith.constant 0 : index
      %get3A_114 = arith.constant 0 : index
      %get3A_115 = vector.load %arg11[%get3A_113, %get3A_114] : memref<16x512xf32, #tpu.memory_space<vmem>>, vector<16x512xf32>
      %dot_general3A_116 = arith.constant dense<0.000000e+00> : vector<33x512xf32>
      %dot_general3A_117 = tpu.matmul %get3A_112, %get3A_115, %dot_general3A_116 {dimension_numbers = #tpu.dot_dimension_numbers<[1], [0], [0], [1], [0, 0, 1, 1], [], []>, transpose_lhs_hint = false} : vector<33x16xf32>, vector<16x512xf32>, vector<33x512xf32> -> vector<33x512xf32>
      %add3A_118 = arith.addf %dot_general3A_109, %dot_general3A_117 : vector<33x512xf32>
      %get3A_119 = arith.constant 0 : index
      %get3A_120 = arith.constant 0 : index
      %get3A_121 = vector.load %arg12[%get3A_119, %get3A_120] : memref<1x512xf32, #tpu.memory_space<vmem>>, vector<1x512xf32>
      %add3A_122 = vector.broadcast %get3A_121 : vector<1x512xf32> to vector<33x512xf32>
      %add3A_123 = arith.addf %add3A_118, %add3A_122 : vector<33x512xf32>
      %tile3A = tpu.concatenate %add3A_123, %add3A_123, %add3A_123, %add3A_123, %add3A_123, %add3A_123, %add3A_123, %add3A_123, %add3A_123, %add3A_123, %add3A_123, %add3A_123, %add3A_123, %add3A_123, %add3A_123, %add3A_123, %add3A_123, %add3A_123, %add3A_123, %add3A_123, %add3A_123, %add3A_123, %add3A_123, %add3A_123, %add3A_123, %add3A_123, %add3A_123, %add3A_123, %add3A_123, %add3A_123, %add3A_123, %add3A_123, %add3A_123, %add3A_123, %add3A_123, %add3A_123, %add3A_123, %add3A_123, %add3A_123, %add3A_123, %add3A_123, %add3A_123, %add3A_123, %add3A_123, %add3A_123, %add3A_123, %add3A_123, %add3A_123, %add3A_123, %add3A_123, %add3A_123, %add3A_123, %add3A_123, %add3A_123, %add3A_123, %add3A_123, %add3A_123, %add3A_123, %add3A_123, %add3A_123, %add3A_123, %add3A_123, %add3A_123, %add3A_123, %add3A_123, %add3A_123, %add3A_123, %add3A_123, %add3A_123, %add3A_123, %add3A_123, %add3A_123, %add3A_123, %add3A_123, %add3A_123, %add3A_123, %add3A_123, %add3A_123, %add3A_123, %add3A_123, %add3A_123, %add3A_123, %add3A_123, %add3A_123, %add3A_123, %add3A_123, %add3A_123, %add3A_123, %add3A_123, %add3A_123, %add3A_123, %add3A_123, %add3A_123, %add3A_123, %add3A_123, %add3A_123 in 0 : vector<33x512xf32>, vector<33x512xf32>, vector<33x512xf32>, vector<33x512xf32>, vector<33x512xf32>, vector<33x512xf32>, vector<33x512xf32>, vector<33x512xf32>, vector<33x512xf32>, vector<33x512xf32>, vector<33x512xf32>, vector<33x512xf32>, vector<33x512xf32>, vector<33x512xf32>, vector<33x512xf32>, vector<33x512xf32>, vector<33x512xf32>, vector<33x512xf32>, vector<33x512xf32>, vector<33x512xf32>, vector<33x512xf32>, vector<33x512xf32>, vector<33x512xf32>, vector<33x512xf32>, vector<33x512xf32>, vector<33x512xf32>, vector<33x512xf32>, vector<33x512xf32>, vector<33x512xf32>, vector<33x512xf32>, vector<33x512xf32>, vector<33x512xf32>, vector<33x512xf32>, vector<33x512xf32>, vector<33x512xf32>, vector<33x512xf32>, vector<33x512xf32>, vector<33x512xf32>, vector<33x512xf32>, vector<33x512xf32>, vector<33x512xf32>, vector<33x512xf32>, vector<33x512xf32>, vector<33x512xf32>, vector<33x512xf32>, vector<33x512xf32>, vector<33x512xf32>, vector<33x512xf32>, vector<33x512xf32>, vector<33x512xf32>, vector<33x512xf32>, vector<33x512xf32>, vector<33x512xf32>, vector<33x512xf32>, vector<33x512xf32>, vector<33x512xf32>, vector<33x512xf32>, vector<33x512xf32>, vector<33x512xf32>, vector<33x512xf32>, vector<33x512xf32>, vector<33x512xf32>, vector<33x512xf32>, vector<33x512xf32>, vector<33x512xf32>, vector<33x512xf32>, vector<33x512xf32>, vector<33x512xf32>, vector<33x512xf32>, vector<33x512xf32>, vector<33x512xf32>, vector<33x512xf32>, vector<33x512xf32>, vector<33x512xf32>, vector<33x512xf32>, vector<33x512xf32>, vector<33x512xf32>, vector<33x512xf32>, vector<33x512xf32>, vector<33x512xf32>, vector<33x512xf32>, vector<33x512xf32>, vector<33x512xf32>, vector<33x512xf32>, vector<33x512xf32>, vector<33x512xf32>, vector<33x512xf32>, vector<33x512xf32>, vector<33x512xf32>, vector<33x512xf32>, vector<33x512xf32>, vector<33x512xf32>, vector<33x512xf32>, vector<33x512xf32>, vector<33x512xf32>, vector<33x512xf32> -> vector<3168x512xf32>
      %swap3A_124 = arith.constant 0 : index
      %swap3A_125 = arith.constant 0 : index
      %swap3A_126 = vector.load %arg24[%swap3A_124, %swap3A_125] : memref<3168x512xf32, #tpu.memory_space<vmem>>, vector<3168x512xf32>
      tpu.vector_store %arg24[%swap3A_124, %swap3A_125], %tile3A {strides = array<i32>} : memref<3168x512xf32, #tpu.memory_space<vmem>>, vector<3168x512xf32>,
    } else {
    }
    %get3A = arith.constant 0 : index
    %get3A_2 = arith.constant 0 : index
    %get3A_3 = arith.constant 0 : index
    %get3A_4 = vector.load %arg3[%get3A, %get3A_2, %get3A_3] : memref<1x96x12xf32, #tpu.memory_space<vmem>>, vector<1x96x12xf32>
    %get3A_5 = vector.shape_cast %get3A_4 : vector<1x96x12xf32> to vector<96x12xf32>
    %get3A_6 = arith.constant 0 : index
    %get3A_7 = arith.constant 0 : index
    %get3A_8 = vector.load %arg7[%get3A_6, %get3A_7] : memref<12x32xf32, #tpu.memory_space<vmem>>, vector<12x32xf32>
    %dot_general3A = arith.constant dense<0.000000e+00> : vector<96x32xf32>
    %dot_general3A_9 = tpu.matmul %get3A_5, %get3A_8, %dot_general3A {dimension_numbers = #tpu.dot_dimension_numbers<[1], [0], [0], [1], [0, 0, 1, 1], [], []>, transpose_lhs_hint = false} : vector<96x12xf32>, vector<12x32xf32>, vector<96x32xf32> -> vector<96x32xf32>
    %get3A_10 = arith.constant 0 : index
    %get3A_11 = arith.constant 0 : index
    %get3A_12 = vector.load %arg5[%get3A_10, %get3A_11] : memref<96x1xf32, #tpu.memory_space<vmem>>, vector<96x1xf32>
    %get3A_13 = arith.constant 0 : index
    %get3A_14 = arith.constant 0 : index
    %get3A_15 = vector.load %arg8[%get3A_13, %get3A_14] : memref<1x32xf32, #tpu.memory_space<vmem>>, vector<1x32xf32>
    %mul3A = vector.broadcast %get3A_12 : vector<96x1xf32> to vector<96x32xf32>
    %mul3A_16 = vector.broadcast %get3A_15 : vector<1x32xf32> to vector<96x32xf32>
    %mul3A_17 = arith.mulf %mul3A, %mul3A_16 : vector<96x32xf32>
    %add3A = arith.addf %dot_general3A_9, %mul3A_17 : vector<96x32xf32>
    %get3A_18 = arith.constant 0 : index
    %get3A_19 = arith.constant 0 : index
    %get3A_20 = vector.load %arg17[%get3A_18, %get3A_19] : memref<32x512xf32, #tpu.memory_space<vmem>>, vector<32x512xf32>
    %dot_general3A_21 = arith.constant dense<0.000000e+00> : vector<96x512xf32>
    %dot_general3A_22 = tpu.matmul %add3A, %get3A_20, %dot_general3A_21 {dimension_numbers = #tpu.dot_dimension_numbers<[1], [0], [0], [1], [0, 0, 1, 1], [], []>, transpose_lhs_hint = false} : vector<96x32xf32>, vector<32x512xf32>, vector<96x512xf32> -> vector<96x512xf32>
    %get3A_23 = arith.constant 0 : index
    %get3A_24 = arith.constant 0 : index
    %get3A_25 = vector.load %arg20[%get3A_23, %get3A_24] : memref<3168x96xf32, #tpu.memory_space<vmem>>, vector<3168x96xf32>
    %dot_general3A_26 = arith.constant dense<0.000000e+00> : vector<3168x512xf32>
    %dot_general3A_27 = tpu.matmul %get3A_25, %dot_general3A_22, %dot_general3A_26 {dimension_numbers = #tpu.dot_dimension_numbers<[1], [0], [0], [1], [0, 0, 1, 1], [], []>, transpose_lhs_hint = false} : vector<3168x96xf32>, vector<96x512xf32>, vector<3168x512xf32> -> vector<3168x512xf32>
    %get3A_28 = arith.constant 0 : index
    %get3A_29 = arith.constant 0 : index
    %get3A_30 = arith.constant 0 : index
    %get3A_31 = vector.load %arg2[%get3A_28, %get3A_29, %get3A_30] : memref<1x3168x128xf32, #tpu.memory_space<vmem>>, vector<1x3168x128xf32>
    %get3A_32 = vector.shape_cast %get3A_31 : vector<1x3168x128xf32> to vector<3168x128xf32>
    %get3A_33 = arith.constant 0 : index
    %get3A_34 = arith.constant 0 : index
    %get3A_35 = vector.load %arg9[%get3A_33, %get3A_34] : memref<128x512xf32, #tpu.memory_space<vmem>>, vector<128x512xf32>
    %dot_general3A_36 = arith.constant dense<0.000000e+00> : vector<3168x512xf32>
    %dot_general3A_37 = tpu.matmul %get3A_32, %get3A_35, %dot_general3A_36 {dimension_numbers = #tpu.dot_dimension_numbers<[1], [0], [0], [1], [0, 0, 1, 1], [], []>, transpose_lhs_hint = false} : vector<3168x128xf32>, vector<128x512xf32>, vector<3168x512xf32> -> vector<3168x512xf32>
    %add3A_38 = arith.addf %dot_general3A_37, %dot_general3A_27 : vector<3168x512xf32>
    %get3A_39 = arith.constant 0 : index
    %get3A_40 = arith.constant 0 : index
    %get3A_41 = vector.load %arg24[%get3A_39, %get3A_40] : memref<3168x512xf32, #tpu.memory_space<vmem>>, vector<3168x512xf32>
    %add3A_42 = arith.addf %add3A_38, %get3A_41 : vector<3168x512xf32>
    %max3A = arith.constant 0.000000e+00 : f32
    %max3A_43 = vector.broadcast %max3A : f32 to vector<3168x512xf32>
    %max3A_44 = arith.maximumf %add3A_42, %max3A_43 : vector<3168x512xf32>
    %get3A_45 = arith.constant 0 : index
    %get3A_46 = arith.constant 0 : index
    %get3A_47 = vector.load %arg13[%get3A_45, %get3A_46] : memref<512x128xf32, #tpu.memory_space<vmem>>, vector<512x128xf32>
    %dot_general3A_48 = arith.constant dense<0.000000e+00> : vector<3168x128xf32>
    %dot_general3A_49 = tpu.matmul %max3A_44, %get3A_47, %dot_general3A_48 {dimension_numbers = #tpu.dot_dimension_numbers<[1], [0], [0], [1], [0, 0, 1, 1], [], []>, transpose_lhs_hint = false} : vector<3168x512xf32>, vector<512x128xf32>, vector<3168x128xf32> -> vector<3168x128xf32>
    %add3A_50 = arith.addf %get3A_32, %dot_general3A_49 : vector<3168x128xf32>
    %get3A_51 = arith.constant 0 : index
    %get3A_52 = arith.constant 0 : index
    %get3A_53 = vector.load %arg14[%get3A_51, %get3A_52] : memref<1x128xf32, #tpu.memory_space<vmem>>, vector<1x128xf32>
    %add3A_54 = vector.broadcast %get3A_53 : vector<1x128xf32> to vector<3168x128xf32>
    %add3A_55 = arith.addf %add3A_50, %add3A_54 : vector<3168x128xf32>
    %jit3A = arith.constant -1.000000e+02 : f32
    %jit3A_56 = arith.constant 1.000000e+02 : f32
    %max3A_57 = vector.broadcast %jit3A : f32 to vector<3168x128xf32>
    %max3A_58 = arith.maximumf %max3A_57, %add3A_55 : vector<3168x128xf32>
    %min3A = vector.broadcast %jit3A_56 : f32 to vector<3168x128xf32>
    %min3A_59 = arith.minimumf %min3A, %max3A_58 : vector<3168x128xf32>
    %swap3A = arith.constant 0 : index
    %swap3A_60 = arith.constant 0 : index
    %swap3A_61 = arith.constant 0 : index
    %swap3A_62 = vector.load %arg21[%swap3A, %swap3A_60, %swap3A_61] : memref<1x3168x128xf32, #tpu.memory_space<vmem>>, vector<1x3168x128xf32>
    %swap3A_63 = vector.shape_cast %swap3A_62 : vector<1x3168x128xf32> to vector<3168x128xf32>
    %swap3A_64 = vector.shape_cast %min3A_59 : vector<3168x128xf32> to vector<1x3168x128xf32>
    tpu.vector_store %arg21[%swap3A, %swap3A_60, %swap3A_61], %swap3A_64 {strides = array<i32>} : memref<1x3168x128xf32, #tpu.memory_space<vmem>>, vector<1x3168x128xf32>,
    %get3A_65 = arith.constant 0 : index
    %get3A_66 = arith.constant 0 : index
    %get3A_67 = vector.load %arg18[%get3A_65, %get3A_66] : memref<96x3168xf32, #tpu.memory_space<vmem>>, vector<96x3168xf32>
    %get3A_68 = arith.constant 0 : index
    %get3A_69 = arith.constant 0 : index
    %get3A_70 = vector.load %arg15[%get3A_68, %get3A_69] : memref<512x8xf32, #tpu.memory_space<vmem>>, vector<512x8xf32>
    %dot_general3A_71 = arith.constant dense<0.000000e+00> : vector<3168x8xf32>
    %dot_general3A_72 = tpu.matmul %max3A_44, %get3A_70, %dot_general3A_71 {dimension_numbers = #tpu.dot_dimension_numbers<[1], [0], [0], [1], [0, 0, 1, 1], [], []>, transpose_lhs_hint = false} : vector<3168x512xf32>, vector<512x8xf32>, vector<3168x8xf32> -> vector<3168x8xf32>
    %dot_general3A_73 = arith.constant dense<0.000000e+00> : vector<96x8xf32>
    %dot_general3A_74 = tpu.matmul %get3A_67, %dot_general3A_72, %dot_general3A_73 {dimension_numbers = #tpu.dot_dimension_numbers<[1], [0], [0], [1], [0, 0, 1, 1], [], []>, transpose_lhs_hint = false} : vector<96x3168xf32>, vector<3168x8xf32>, vector<96x8xf32> -> vector<96x8xf32>
    %swap3A_75 = arith.constant 0 : index
    %swap3A_76 = arith.constant 0 : index
    %swap3A_77 = arith.constant 0 : index
    %swap3A_78 = vector.load %arg22[%swap3A_75, %swap3A_76, %swap3A_77] : memref<1x96x8xf32, #tpu.memory_space<vmem>>, vector<1x96x8xf32>
    %swap3A_79 = vector.shape_cast %swap3A_78 : vector<1x96x8xf32> to vector<96x8xf32>
    %swap3A_80 = vector.shape_cast %dot_general3A_74 : vector<96x8xf32> to vector<1x96x8xf32>
    tpu.vector_store %arg22[%swap3A_75, %swap3A_76, %swap3A_77], %swap3A_80 {strides = array<i32>} : memref<1x96x8xf32, #tpu.memory_space<vmem>>, vector<1x96x8xf32>,
    %get3A_81 = arith.constant 0 : index
    %get3A_82 = arith.constant 0 : index
    %get3A_83 = vector.load %arg19[%get3A_81, %get3A_82] : memref<33x3168xf32, #tpu.memory_space<vmem>>, vector<33x3168xf32>
    %get3A_84 = arith.constant 0 : index
    %get3A_85 = arith.constant 0 : index
    %get3A_86 = vector.load %arg16[%get3A_84, %get3A_85] : memref<512x128xf32, #tpu.memory_space<vmem>>, vector<512x128xf32>
    %dot_general3A_87 = arith.constant dense<0.000000e+00> : vector<3168x128xf32>
    %dot_general3A_88 = tpu.matmul %max3A_44, %get3A_86, %dot_general3A_87 {dimension_numbers = #tpu.dot_dimension_numbers<[1], [0], [0], [1], [0, 0, 1, 1], [], []>, transpose_lhs_hint = false} : vector<3168x512xf32>, vector<512x128xf32>, vector<3168x128xf32> -> vector<3168x128xf32>
    %dot_general3A_89 = arith.constant dense<0.000000e+00> : vector<33x128xf32>
    %dot_general3A_90 = tpu.matmul %get3A_83, %dot_general3A_88, %dot_general3A_89 {dimension_numbers = #tpu.dot_dimension_numbers<[1], [0], [0], [1], [0, 0, 1, 1], [], []>, transpose_lhs_hint = false} : vector<33x3168xf32>, vector<3168x128xf32>, vector<33x128xf32> -> vector<33x128xf32>
    %eq3A_91 = arith.constant 0 : i32
    %eq3A_92 = arith.cmpi eq, %arg1, %eq3A_91 : i32
    %convert_element_type3A_93 = arith.extui %eq3A_92 : i1 to i32
    %cond3A_94 = arith.constant 0 : i32
    %cond3A_95 = arith.cmpi ne, %convert_element_type3A_93, %cond3A_94 : i32
    scf.if %cond3A_95 {
      %swap3A_100 = arith.constant 0 : index
      %swap3A_101 = arith.constant 0 : index
      %swap3A_102 = arith.constant 0 : index
      %swap3A_103 = vector.load %arg23[%swap3A_100, %swap3A_101, %swap3A_102] : memref<1x33x128xf32, #tpu.memory_space<vmem>>, vector<1x33x128xf32>
      %swap3A_104 = vector.shape_cast %swap3A_103 : vector<1x33x128xf32> to vector<33x128xf32>
      %swap3A_105 = vector.shape_cast %dot_general3A_90 : vector<33x128xf32> to vector<1x33x128xf32>
      tpu.vector_store %arg23[%swap3A_100, %swap3A_101, %swap3A_102], %swap3A_105 {strides = array<i32>} : memref<1x33x128xf32, #tpu.memory_space<vmem>>, vector<1x33x128xf32>,
    } else {
    }
    %ne3A = arith.constant 0 : i32
    %ne3A_96 = arith.cmpi ne, %arg1, %ne3A : i32
    %convert_element_type3A_97 = arith.extui %ne3A_96 : i1 to i32
    %cond3A_98 = arith.constant 0 : i32
    %cond3A_99 = arith.cmpi ne, %convert_element_type3A_97, %cond3A_98 : i32
    scf.if %cond3A_99 {
      %get3A_100 = arith.constant 0 : index
      %get3A_101 = arith.constant 0 : index
      %get3A_102 = arith.constant 0 : index
      %get3A_103 = vector.load %arg23[%get3A_100, %get3A_101, %get3A_102] : memref<1x33x128xf32, #tpu.memory_space<vmem>>, vector<1x33x128xf32>
      %get3A_104 = vector.shape_cast %get3A_103 : vector<1x33x128xf32> to vector<33x128xf32>
      %add3A_105 = arith.addf %get3A_104, %dot_general3A_90 : vector<33x128xf32>
      %swap3A_106 = arith.constant 0 : index
      %swap3A_107 = arith.constant 0 : index
      %swap3A_108 = arith.constant 0 : index
      %swap3A_109 = vector.load %arg23[%swap3A_106, %swap3A_107, %swap3A_108] : memref<1x33x128xf32, #tpu.memory_space<vmem>>, vector<1x33x128xf32>
      %swap3A_110 = vector.shape_cast %swap3A_109 : vector<1x33x128xf32> to vector<33x128xf32>
      %swap3A_111 = vector.shape_cast %add3A_105 : vector<33x128xf32> to vector<1x33x128xf32>
      tpu.vector_store %arg23[%swap3A_106, %swap3A_107, %swap3A_108], %swap3A_111 {strides = array<i32>} : memref<1x33x128xf32, #tpu.memory_space<vmem>>, vector<1x33x128xf32>,
    } else {
    }
    return
  }
  func.func @transform_0(%arg0: i32, %arg1: i32) -> (i32, i32, i32) {
    %c0_i32 = arith.constant 0 : i32
    %c0_i32_0 = arith.constant 0 : i32
    return %arg0, %arg1, %c0_i32 : i32, i32, i32
  }
  func.func @transform_1(%arg0: i32, %arg1: i32) -> (i32, i32, i32) {
    %c0_i32 = arith.constant 0 : i32
    %c0_i32_0 = arith.constant 0 : i32
    return %arg0, %arg1, %c0_i32 : i32, i32, i32
  }
  func.func @transform_2(%arg0: i32, %arg1: i32) -> (i32, i32, i32) {
    %c0_i32 = arith.constant 0 : i32
    %c0_i32_0 = arith.constant 0 : i32
    %c0_i32_1 = arith.constant 0 : i32
    return %arg0, %c0_i32, %c0_i32_0 : i32, i32, i32
  }
  func.func @transform_3(%arg0: i32, %arg1: i32) -> (i32, i32) {
    %c0_i32 = arith.constant 0 : i32
    %c0_i32_0 = arith.constant 0 : i32
    return %arg1, %c0_i32 : i32, i32
  }
  func.func @transform_4(%arg0: i32, %arg1: i32) -> (i32, i32) {
    %c0_i32 = arith.constant 0 : i32
    %c0_i32_0 = arith.constant 0 : i32
    %c0_i32_1 = arith.constant 0 : i32
    return %c0_i32, %c0_i32_0 : i32, i32
  }
  func.func @transform_5(%arg0: i32, %arg1: i32) -> (i32, i32) {
    %c0_i32 = arith.constant 0 : i32
    %c0_i32_0 = arith.constant 0 : i32
    %c0_i32_1 = arith.constant 0 : i32
    return %c0_i32, %c0_i32_0 : i32, i32
  }
  func.func @transform_6(%arg0: i32, %arg1: i32) -> (i32, i32) {
    %c0_i32 = arith.constant 0 : i32
    %c0_i32_0 = arith.constant 0 : i32
    %c0_i32_1 = arith.constant 0 : i32
    return %c0_i32, %c0_i32_0 : i32, i32
  }
  func.func @transform_7(%arg0: i32, %arg1: i32) -> (i32, i32) {
    %c0_i32 = arith.constant 0 : i32
    %c0_i32_0 = arith.constant 0 : i32
    %c0_i32_1 = arith.constant 0 : i32
    return %c0_i32, %c0_i32_0 : i32, i32
  }
  func.func @transform_8(%arg0: i32, %arg1: i32) -> (i32, i32) {
    %c0_i32 = arith.constant 0 : i32
    %c0_i32_0 = arith.constant 0 : i32
    %c0_i32_1 = arith.constant 0 : i32
    return %c0_i32, %c0_i32_0 : i32, i32
  }
  func.func @transform_9(%arg0: i32, %arg1: i32) -> (i32, i32) {
    %c0_i32 = arith.constant 0 : i32
    %c0_i32_0 = arith.constant 0 : i32
    %c0_i32_1 = arith.constant 0 : i32
    return %c0_i32, %c0_i32_0 : i32, i32
  }
  func.func @transform_10(%arg0: i32, %arg1: i32) -> (i32, i32) {
    %c0_i32 = arith.constant 0 : i32
    %c0_i32_0 = arith.constant 0 : i32
    %c0_i32_1 = arith.constant 0 : i32
    return %c0_i32, %c0_i32_0 : i32, i32
  }
  func.func @transform_11(%arg0: i32, %arg1: i32) -> (i32, i32) {
    %c0_i32 = arith.constant 0 : i32
    %c0_i32_0 = arith.constant 0 : i32
    %c0_i32_1 = arith.constant 0 : i32
    return %c0_i32, %c0_i32_0 : i32, i32
  }
  func.func @transform_12(%arg0: i32, %arg1: i32) -> (i32, i32) {
    %c0_i32 = arith.constant 0 : i32
    %c0_i32_0 = arith.constant 0 : i32
    %c0_i32_1 = arith.constant 0 : i32
    return %c0_i32, %c0_i32_0 : i32, i32
  }
  func.func @transform_13(%arg0: i32, %arg1: i32) -> (i32, i32) {
    %c0_i32 = arith.constant 0 : i32
    %c0_i32_0 = arith.constant 0 : i32
    %c0_i32_1 = arith.constant 0 : i32
    return %c0_i32, %c0_i32_0 : i32, i32
  }
  func.func @transform_14(%arg0: i32, %arg1: i32) -> (i32, i32) {
    %c0_i32 = arith.constant 0 : i32
    %c0_i32_0 = arith.constant 0 : i32
    %c0_i32_1 = arith.constant 0 : i32
    return %c0_i32, %c0_i32_0 : i32, i32
  }
  func.func @transform_15(%arg0: i32, %arg1: i32) -> (i32, i32) {
    %c0_i32 = arith.constant 0 : i32
    %c0_i32_0 = arith.constant 0 : i32
    %c0_i32_1 = arith.constant 0 : i32
    return %c0_i32, %c0_i32_0 : i32, i32
  }
  func.func @transform_16(%arg0: i32, %arg1: i32) -> (i32, i32) {
    %c0_i32 = arith.constant 0 : i32
    %c0_i32_0 = arith.constant 0 : i32
    %c0_i32_1 = arith.constant 0 : i32
    return %c0_i32, %c0_i32_0 : i32, i32
  }
  func.func @transform_17(%arg0: i32, %arg1: i32) -> (i32, i32) {
    %c0_i32 = arith.constant 0 : i32
    %c0_i32_0 = arith.constant 0 : i32
    %c0_i32_1 = arith.constant 0 : i32
    return %c0_i32, %c0_i32_0 : i32, i32
  }
  func.func @transform_18(%arg0: i32, %arg1: i32) -> (i32, i32) {
    %c0_i32 = arith.constant 0 : i32
    %c0_i32_0 = arith.constant 0 : i32
    %c0_i32_1 = arith.constant 0 : i32
    return %c0_i32, %c0_i32_0 : i32, i32
  }
  func.func @transform_19(%arg0: i32, %arg1: i32) -> (i32, i32, i32) {
    %c0_i32 = arith.constant 0 : i32
    %c0_i32_0 = arith.constant 0 : i32
    return %arg0, %arg1, %c0_i32 : i32, i32, i32
  }
  func.func @transform_20(%arg0: i32, %arg1: i32) -> (i32, i32, i32) {
    %c0_i32 = arith.constant 0 : i32
    %c0_i32_0 = arith.constant 0 : i32
    return %arg0, %arg1, %c0_i32 : i32, i32, i32
  }
  func.func @transform_21(%arg0: i32, %arg1: i32) -> (i32, i32, i32) {
    %c0_i32 = arith.constant 0 : i32
    %c0_i32_0 = arith.constant 0 : i32
    %c0_i32_1 = arith.constant 0 : i32
    return %arg0, %c0_i32, %c0_i32_0 : i32, i32, i32
  }
}

module attributes {stable_mosaic.version = 14 : i64} {
  func.func @_finish_kernel(%arg0: i32, %arg1: memref<1x593x12xf32, #tpu.memory_space<vmem>>, %arg2: memref<1x592x8xf32, #tpu.memory_space<vmem>>, %arg3: memref<1x576x8xf32, #tpu.memory_space<vmem>>, %arg4: memref<1x528x8xf32, #tpu.memory_space<vmem>>, %arg5: memref<593x1xf32, #tpu.memory_space<vmem>>, %arg6: memref<593x1xf32, #tpu.memory_space<vmem>>, %arg7: memref<593x4xf32, #tpu.memory_space<vmem>>, %arg8: memref<12x32xf32, #tpu.memory_space<vmem>>, %arg9: memref<12x32xf32, #tpu.memory_space<vmem>>, %arg10: memref<8x32xf32, #tpu.memory_space<vmem>>, %arg11: memref<2x32xf32, #tpu.memory_space<vmem>>, %arg12: memref<1x32xf32, #tpu.memory_space<vmem>>, %arg13: memref<32x24xf32, #tpu.memory_space<vmem>>, %arg14: memref<1x24xf32, #tpu.memory_space<vmem>>, %arg15: memref<28x16xf32, #tpu.memory_space<vmem>>, %arg16: memref<1x16xf32, #tpu.memory_space<vmem>>, %arg17: memref<16x8xf32, #tpu.memory_space<vmem>>, %arg18: memref<1x8xf32, #tpu.memory_space<vmem>>, %arg19: memref<1x593x12xf32, #tpu.memory_space<vmem>>, %arg20: memref<1x592x8xf32, #tpu.memory_space<vmem>>) attributes {dimension_semantics = [#tpu.dimension_semantics<arbitrary>], iteration_bounds = array<i64: 4>, scalar_prefetch = 0 : i64, scratch_operands = 0 : i64, tpu.core_type = #tpu.core_type<tc>, window_params = [{transform_indices = @transform_0, window_bounds = array<i64: 1, 593, 12>}, {transform_indices = @transform_1, window_bounds = array<i64: 1, 592, 8>}, {transform_indices = @transform_2, window_bounds = array<i64: 1, 576, 8>}, {transform_indices = @transform_3, window_bounds = array<i64: 1, 528, 8>}, {pipeline_mode = #tpu.pipeline_mode<synchronous>, transform_indices = @transform_4, window_bounds = array<i64: 593, 1>}, {pipeline_mode = #tpu.pipeline_mode<synchronous>, transform_indices = @transform_5, window_bounds = array<i64: 593, 1>}, {pipeline_mode = #tpu.pipeline_mode<synchronous>, transform_indices = @transform_6, window_bounds = array<i64: 593, 4>}, {pipeline_mode = #tpu.pipeline_mode<synchronous>, transform_indices = @transform_7, window_bounds = array<i64: 12, 32>}, {pipeline_mode = #tpu.pipeline_mode<synchronous>, transform_indices = @transform_8, window_bounds = array<i64: 12, 32>}, {pipeline_mode = #tpu.pipeline_mode<synchronous>, transform_indices = @transform_9, window_bounds = array<i64: 8, 32>}, {pipeline_mode = #tpu.pipeline_mode<synchronous>, transform_indices = @transform_10, window_bounds = array<i64: 2, 32>}, {pipeline_mode = #tpu.pipeline_mode<synchronous>, transform_indices = @transform_11, window_bounds = array<i64: 1, 32>}, {pipeline_mode = #tpu.pipeline_mode<synchronous>, transform_indices = @transform_12, window_bounds = array<i64: 32, 24>}, {pipeline_mode = #tpu.pipeline_mode<synchronous>, transform_indices = @transform_13, window_bounds = array<i64: 1, 24>}, {pipeline_mode = #tpu.pipeline_mode<synchronous>, transform_indices = @transform_14, window_bounds = array<i64: 28, 16>}, {pipeline_mode = #tpu.pipeline_mode<synchronous>, transform_indices = @transform_15, window_bounds = array<i64: 1, 16>}, {pipeline_mode = #tpu.pipeline_mode<synchronous>, transform_indices = @transform_16, window_bounds = array<i64: 16, 8>}, {pipeline_mode = #tpu.pipeline_mode<synchronous>, transform_indices = @transform_17, window_bounds = array<i64: 1, 8>}, {transform_indices = @transform_18, window_bounds = array<i64: 1, 593, 12>}, {transform_indices = @transform_19, window_bounds = array<i64: 1, 592, 8>}]} {
    %get3A = arith.constant 0 : index
    %get3A_0 = arith.constant 0 : index
    %get3A_1 = arith.constant 0 : index
    %get3A_2 = vector.load %arg1[%get3A, %get3A_0, %get3A_1] : memref<1x593x12xf32, #tpu.memory_space<vmem>>, vector<1x593x12xf32>
    %get3A_3 = vector.shape_cast %get3A_2 : vector<1x593x12xf32> to vector<593x12xf32>
    %get3A_4 = arith.constant 0 : index
    %get3A_5 = arith.constant 0 : index
    %get3A_6 = vector.load %arg5[%get3A_4, %get3A_5] : memref<593x1xf32, #tpu.memory_space<vmem>>, vector<593x1xf32>
    %get3A_7 = arith.constant 0 : index
    %get3A_8 = arith.constant 0 : index
    %get3A_9 = vector.load %arg6[%get3A_7, %get3A_8] : memref<593x1xf32, #tpu.memory_space<vmem>>, vector<593x1xf32>
    %get3A_10 = arith.constant 0 : index
    %get3A_11 = arith.constant 0 : index
    %get3A_12 = vector.load %arg14[%get3A_10, %get3A_11] : memref<1x24xf32, #tpu.memory_space<vmem>>, vector<1x24xf32>
    %get3A_13 = arith.constant 0 : index
    %get3A_14 = arith.constant 0 : index
    %get3A_15 = vector.load %arg9[%get3A_13, %get3A_14] : memref<12x32xf32, #tpu.memory_space<vmem>>, vector<12x32xf32>
    %dot_general3A = arith.constant dense<0.000000e+00> : vector<593x32xf32>
    %dot_general3A_16 = tpu.matmul %get3A_3, %get3A_15, %dot_general3A {dimension_numbers = #tpu.dot_dimension_numbers<[1], [0], [0], [1], [0, 0, 1, 1], [], []>, transpose_lhs_hint = false} : vector<593x12xf32>, vector<12x32xf32>, vector<593x32xf32> -> vector<593x32xf32>
    %get3A_17 = arith.constant 1 : index
    %get3A_18 = arith.constant 0 : index
    %get3A_19 = vector.load %arg11[%get3A_17, %get3A_18] : memref<2x32xf32, #tpu.memory_space<vmem>>, vector<1x32xf32>
    %mul3A = vector.broadcast %get3A_9 : vector<593x1xf32> to vector<593x32xf32>
    %mul3A_20 = vector.broadcast %get3A_19 : vector<1x32xf32> to vector<593x32xf32>
    %mul3A_21 = arith.mulf %mul3A, %mul3A_20 : vector<593x32xf32>
    %add3A = arith.addf %dot_general3A_16, %mul3A_21 : vector<593x32xf32>
    %get3A_22 = arith.constant 0 : index
    %get3A_23 = arith.constant 0 : index
    %get3A_24 = vector.load %arg12[%get3A_22, %get3A_23] : memref<1x32xf32, #tpu.memory_space<vmem>>, vector<1x32xf32>
    %add3A_25 = vector.broadcast %get3A_24 : vector<1x32xf32> to vector<593x32xf32>
    %add3A_26 = arith.addf %add3A, %add3A_25 : vector<593x32xf32>
    %slice3A = vector.extract_strided_slice %get3A_3 {offsets = [592, 0], sizes = [1, 12], strides = [1, 1]} : vector<593x12xf32> to vector<1x12xf32>
    %get3A_27 = arith.constant 0 : index
    %get3A_28 = arith.constant 0 : index
    %get3A_29 = vector.load %arg8[%get3A_27, %get3A_28] : memref<12x32xf32, #tpu.memory_space<vmem>>, vector<12x32xf32>
    %dot_general3A_30 = arith.constant dense<0.000000e+00> : vector<1x32xf32>
    %dot_general3A_31 = tpu.matmul %slice3A, %get3A_29, %dot_general3A_30 {dimension_numbers = #tpu.dot_dimension_numbers<[1], [0], [0], [1], [0, 0, 1, 1], [], []>, transpose_lhs_hint = false} : vector<1x12xf32>, vector<12x32xf32>, vector<1x32xf32> -> vector<1x32xf32>
    %slice3A_32 = vector.extract_strided_slice %get3A_6 {offsets = [592, 0], sizes = [1, 1], strides = [1, 1]} : vector<593x1xf32> to vector<1x1xf32>
    %get3A_33 = arith.constant 0 : index
    %get3A_34 = arith.constant 0 : index
    %get3A_35 = vector.load %arg11[%get3A_33, %get3A_34] : memref<2x32xf32, #tpu.memory_space<vmem>>, vector<1x32xf32>
    %mul3A_36 = vector.broadcast %slice3A_32 : vector<1x1xf32> to vector<1x32xf32>
    %mul3A_37 = arith.mulf %mul3A_36, %get3A_35 : vector<1x32xf32>
    %add3A_38 = arith.addf %dot_general3A_31, %mul3A_37 : vector<1x32xf32>
    %get3A_39 = arith.constant 0 : index
    %get3A_40 = arith.constant 0 : index
    %get3A_41 = arith.constant 0 : index
    %get3A_42 = vector.load %arg2[%get3A_39, %get3A_40, %get3A_41] : memref<1x592x8xf32, #tpu.memory_space<vmem>>, vector<1x592x8xf32>
    %get3A_43 = vector.shape_cast %get3A_42 : vector<1x592x8xf32> to vector<592x8xf32>
    %get3A_44 = arith.constant 0 : index
    %get3A_45 = arith.constant 0 : index
    %get3A_46 = vector.load %arg10[%get3A_44, %get3A_45] : memref<8x32xf32, #tpu.memory_space<vmem>>, vector<8x32xf32>
    %dot_general3A_47 = arith.constant dense<0.000000e+00> : vector<592x32xf32>
    %dot_general3A_48 = tpu.matmul %get3A_43, %get3A_46, %dot_general3A_47 {dimension_numbers = #tpu.dot_dimension_numbers<[1], [0], [0], [1], [0, 0, 1, 1], [], []>, transpose_lhs_hint = false} : vector<592x8xf32>, vector<8x32xf32>, vector<592x32xf32> -> vector<592x32xf32>
    %slice3A_49 = vector.extract_strided_slice %add3A_26 {offsets = [0, 0], sizes = [592, 32], strides = [1, 1]} : vector<593x32xf32> to vector<592x32xf32>
    %add3A_50 = arith.addf %dot_general3A_48, %slice3A_49 : vector<592x32xf32>
    %add3A_51 = vector.broadcast %add3A_38 : vector<1x32xf32> to vector<592x32xf32>
    %add3A_52 = arith.addf %add3A_50, %add3A_51 : vector<592x32xf32>
    %max3A = arith.constant 0.000000e+00 : f32
    %max3A_53 = vector.broadcast %max3A : f32 to vector<592x32xf32>
    %max3A_54 = arith.maximumf %add3A_52, %max3A_53 : vector<592x32xf32>
    %get3A_55 = arith.constant 0 : index
    %get3A_56 = arith.constant 0 : index
    %get3A_57 = vector.load %arg13[%get3A_55, %get3A_56] : memref<32x24xf32, #tpu.memory_space<vmem>>, vector<32x24xf32>
    %dot_general3A_58 = arith.constant dense<0.000000e+00> : vector<592x24xf32>
    %dot_general3A_59 = tpu.matmul %max3A_54, %get3A_57, %dot_general3A_58 {dimension_numbers = #tpu.dot_dimension_numbers<[1], [0], [0], [1], [0, 0, 1, 1], [], []>, transpose_lhs_hint = false} : vector<592x32xf32>, vector<32x24xf32>, vector<592x24xf32> -> vector<592x24xf32>
    %add3A_60 = vector.broadcast %get3A_12 : vector<1x24xf32> to vector<592x24xf32>
    %add3A_61 = arith.addf %dot_general3A_59, %add3A_60 : vector<592x24xf32>
    %slice3A_62 = vector.extract_strided_slice %add3A_61 {offsets = [0, 16], sizes = [592, 8], strides = [1, 1]} : vector<592x24xf32> to vector<592x8xf32>
    %add3A_63 = arith.addf %get3A_43, %slice3A_62 : vector<592x8xf32>
    %jit3A = arith.constant -1.000000e+02 : f32
    %jit3A_64 = arith.constant 1.000000e+02 : f32
    %max3A_65 = vector.broadcast %jit3A : f32 to vector<592x8xf32>
    %max3A_66 = arith.maximumf %max3A_65, %add3A_63 : vector<592x8xf32>
    %min3A = vector.broadcast %jit3A_64 : f32 to vector<592x8xf32>
    %min3A_67 = arith.minimumf %min3A, %max3A_66 : vector<592x8xf32>
    %swap3A = arith.constant 0 : index
    %swap3A_68 = arith.constant 0 : index
    %swap3A_69 = arith.constant 0 : index
    %swap3A_70 = vector.load %arg20[%swap3A, %swap3A_68, %swap3A_69] : memref<1x592x8xf32, #tpu.memory_space<vmem>>, vector<1x592x8xf32>
    %swap3A_71 = vector.shape_cast %swap3A_70 : vector<1x592x8xf32> to vector<592x8xf32>
    %swap3A_72 = vector.shape_cast %min3A_67 : vector<592x8xf32> to vector<1x592x8xf32>
    tpu.vector_store %arg20[%swap3A, %swap3A_68, %swap3A_69], %swap3A_72 {strides = array<i32>} : memref<1x592x8xf32, #tpu.memory_space<vmem>>, vector<1x592x8xf32>,
    %get3A_73 = arith.constant 0 : index
    %get3A_74 = arith.constant 0 : index
    %get3A_75 = arith.constant 0 : index
    %get3A_76 = vector.load %arg3[%get3A_73, %get3A_74, %get3A_75] : memref<1x576x8xf32, #tpu.memory_space<vmem>>, vector<1x576x8xf32>
    %get3A_77 = vector.shape_cast %get3A_76 : vector<1x576x8xf32> to vector<576x8xf32>
    %slice3A_78 = vector.extract_strided_slice %get3A_12 {offsets = [0, 0], sizes = [1, 8], strides = [1, 1]} : vector<1x24xf32> to vector<1x8xf32>
    %mul3A_79 = arith.constant 5.280000e+02 : f32
    %mul3A_80 = vector.broadcast %mul3A_79 : f32 to vector<1x8xf32>
    %mul3A_81 = arith.mulf %mul3A_80, %slice3A_78 : vector<1x8xf32>
    %add3A_82 = vector.broadcast %mul3A_81 : vector<1x8xf32> to vector<576x8xf32>
    %add3A_83 = arith.addf %get3A_77, %add3A_82 : vector<576x8xf32>
    %broadcast_in_dim3A = arith.constant 0.000000e+00 : f32
    %broadcast_in_dim3A_84 = vector.broadcast %broadcast_in_dim3A : f32 to vector<16x8xf32>
    %slice3A_85 = vector.extract_strided_slice %add3A_61 {offsets = [0, 0], sizes = [592, 8], strides = [1, 1]} : vector<592x24xf32> to vector<592x8xf32>
    %reduce_sum3A = arith.constant dense<0.000000e+00> : vector<8xf32>
    %reduce_sum3A_86 = vector.multi_reduction <add>, %slice3A_85, %reduce_sum3A [0] : vector<592x8xf32> to vector<8xf32>
    %broadcast_in_dim3A_87 = vector.shape_cast %reduce_sum3A_86 : vector<8xf32> to vector<1x8xf32>
    %concatenate3A = tpu.concatenate %add3A_83, %broadcast_in_dim3A_84, %broadcast_in_dim3A_87 in 0 : vector<576x8xf32>, vector<16x8xf32>, vector<1x8xf32> -> vector<593x8xf32>
    %slice3A_88 = vector.extract_strided_slice %add3A_61 {offsets = [0, 8], sizes = [592, 8], strides = [1, 1]} : vector<592x24xf32> to vector<592x8xf32>
    %slice3A_89 = vector.extract_strided_slice %slice3A_88 {offsets = [0, 0], sizes = [64, 8], strides = [1, 1]} : vector<592x8xf32> to vector<64x8xf32>
    %get3A_90 = arith.constant 0 : index
    %get3A_91 = arith.constant 0 : index
    %get3A_92 = arith.constant 0 : index
    %get3A_93 = vector.load %arg4[%get3A_90, %get3A_91, %get3A_92] : memref<1x528x8xf32, #tpu.memory_space<vmem>>, vector<1x528x8xf32>
    %get3A_94 = vector.shape_cast %get3A_93 : vector<1x528x8xf32> to vector<528x8xf32>
    %slice3A_95 = vector.extract_strided_slice %get3A_12 {offsets = [0, 8], sizes = [1, 8], strides = [1, 1]} : vector<1x24xf32> to vector<1x8xf32>
    %mul3A_96 = arith.constant 5.760000e+02 : f32
    %mul3A_97 = vector.broadcast %mul3A_96 : f32 to vector<1x8xf32>
    %mul3A_98 = arith.mulf %mul3A_97, %slice3A_95 : vector<1x8xf32>
    %add3A_99 = vector.broadcast %mul3A_98 : vector<1x8xf32> to vector<528x8xf32>
    %add3A_100 = arith.addf %get3A_94, %add3A_99 : vector<528x8xf32>
    %slice3A_101 = vector.extract_strided_slice %slice3A_88 {offsets = [64, 0], sizes = [528, 8], strides = [1, 1]} : vector<592x8xf32> to vector<528x8xf32>
    %add3A_102 = arith.addf %add3A_100, %slice3A_101 : vector<528x8xf32>
    %broadcast_in_dim3A_103 = arith.constant 0.000000e+00 : f32
    %broadcast_in_dim3A_104 = vector.broadcast %broadcast_in_dim3A_103 : f32 to vector<1x8xf32>
    %concatenate3A_105 = tpu.concatenate %slice3A_89, %add3A_102, %broadcast_in_dim3A_104 in 0 : vector<64x8xf32>, vector<528x8xf32>, vector<1x8xf32> -> vector<593x8xf32>
    %max3A_106 = arith.constant 1.000000e+00 : f32
    %max3A_107 = vector.broadcast %max3A_106 : f32 to vector<593x1xf32>
    %max3A_108 = arith.maximumf %get3A_6, %max3A_107 : vector<593x1xf32>
    %div3A = vector.broadcast %max3A_108 : vector<593x1xf32> to vector<593x8xf32>
    %div3A_109 = arith.divf %concatenate3A, %div3A : vector<593x8xf32>
    %max3A_110 = arith.constant 1.000000e+00 : f32
    %max3A_111 = vector.broadcast %max3A_110 : f32 to vector<593x1xf32>
    %max3A_112 = arith.maximumf %get3A_9, %max3A_111 : vector<593x1xf32>
    %div3A_113 = vector.broadcast %max3A_112 : vector<593x1xf32> to vector<593x8xf32>
    %div3A_114 = arith.divf %concatenate3A_105, %div3A_113 : vector<593x8xf32>
    %concatenate3A_115 = tpu.concatenate %div3A_109, %div3A_114, %get3A_3 in 1 : vector<593x8xf32>, vector<593x8xf32>, vector<593x12xf32> -> vector<593x28xf32>
    %get3A_116 = arith.constant 0 : index
    %get3A_117 = arith.constant 0 : index
    %get3A_118 = vector.load %arg15[%get3A_116, %get3A_117] : memref<28x16xf32, #tpu.memory_space<vmem>>, vector<28x16xf32>
    %dot_general3A_119 = arith.constant dense<0.000000e+00> : vector<593x16xf32>
    %dot_general3A_120 = tpu.matmul %concatenate3A_115, %get3A_118, %dot_general3A_119 {dimension_numbers = #tpu.dot_dimension_numbers<[1], [0], [0], [1], [0, 0, 1, 1], [], []>, transpose_lhs_hint = false} : vector<593x28xf32>, vector<28x16xf32>, vector<593x16xf32> -> vector<593x16xf32>
    %get3A_121 = arith.constant 0 : index
    %get3A_122 = arith.constant 0 : index
    %get3A_123 = vector.load %arg16[%get3A_121, %get3A_122] : memref<1x16xf32, #tpu.memory_space<vmem>>, vector<1x16xf32>
    %add3A_124 = vector.broadcast %get3A_123 : vector<1x16xf32> to vector<593x16xf32>
    %add3A_125 = arith.addf %dot_general3A_120, %add3A_124 : vector<593x16xf32>
    %max3A_126 = arith.constant 0.000000e+00 : f32
    %max3A_127 = vector.broadcast %max3A_126 : f32 to vector<593x16xf32>
    %max3A_128 = arith.maximumf %add3A_125, %max3A_127 : vector<593x16xf32>
    %get3A_129 = arith.constant 0 : index
    %get3A_130 = arith.constant 0 : index
    %get3A_131 = vector.load %arg17[%get3A_129, %get3A_130] : memref<16x8xf32, #tpu.memory_space<vmem>>, vector<16x8xf32>
    %dot_general3A_132 = arith.constant dense<0.000000e+00> : vector<593x8xf32>
    %dot_general3A_133 = tpu.matmul %max3A_128, %get3A_131, %dot_general3A_132 {dimension_numbers = #tpu.dot_dimension_numbers<[1], [0], [0], [1], [0, 0, 1, 1], [], []>, transpose_lhs_hint = false} : vector<593x16xf32>, vector<16x8xf32>, vector<593x8xf32> -> vector<593x8xf32>
    %get3A_134 = arith.constant 0 : index
    %get3A_135 = arith.constant 0 : index
    %get3A_136 = vector.load %arg18[%get3A_134, %get3A_135] : memref<1x8xf32, #tpu.memory_space<vmem>>, vector<1x8xf32>
    %add3A_137 = vector.broadcast %get3A_136 : vector<1x8xf32> to vector<593x8xf32>
    %add3A_138 = arith.addf %dot_general3A_133, %add3A_137 : vector<593x8xf32>
    %slice3A_139 = vector.extract_strided_slice %get3A_3 {offsets = [0, 0], sizes = [593, 8], strides = [1, 1]} : vector<593x12xf32> to vector<593x8xf32>
    %add3A_140 = arith.addf %slice3A_139, %add3A_138 : vector<593x8xf32>
    %jit3A_141 = arith.constant -1.000000e+02 : f32
    %jit3A_142 = arith.constant 1.000000e+02 : f32
    %max3A_143 = vector.broadcast %jit3A_141 : f32 to vector<593x8xf32>
    %max3A_144 = arith.maximumf %max3A_143, %add3A_140 : vector<593x8xf32>
    %min3A_145 = vector.broadcast %jit3A_142 : f32 to vector<593x8xf32>
    %min3A_146 = arith.minimumf %min3A_145, %max3A_144 : vector<593x8xf32>
    %get3A_147 = arith.constant 0 : index
    %get3A_148 = arith.constant 0 : index
    %get3A_149 = vector.load %arg7[%get3A_147, %get3A_148] : memref<593x4xf32, #tpu.memory_space<vmem>>, vector<593x4xf32>
    %concatenate3A_150 = tpu.concatenate %min3A_146, %get3A_149 in 1 : vector<593x8xf32>, vector<593x4xf32> -> vector<593x12xf32>
    %swap3A_151 = arith.constant 0 : index
    %swap3A_152 = arith.constant 0 : index
    %swap3A_153 = arith.constant 0 : index
    %swap3A_154 = vector.load %arg19[%swap3A_151, %swap3A_152, %swap3A_153] : memref<1x593x12xf32, #tpu.memory_space<vmem>>, vector<1x593x12xf32>
    %swap3A_155 = vector.shape_cast %swap3A_154 : vector<1x593x12xf32> to vector<593x12xf32>
    %swap3A_156 = vector.shape_cast %concatenate3A_150 : vector<593x12xf32> to vector<1x593x12xf32>
    tpu.vector_store %arg19[%swap3A_151, %swap3A_152, %swap3A_153], %swap3A_156 {strides = array<i32>} : memref<1x593x12xf32, #tpu.memory_space<vmem>>, vector<1x593x12xf32>,
    return
  }
  func.func @transform_0(%arg0: i32) -> (i32, i32, i32) {
    %c0_i32 = arith.constant 0 : i32
    %c0_i32_0 = arith.constant 0 : i32
    %c0_i32_1 = arith.constant 0 : i32
    return %arg0, %c0_i32, %c0_i32_0 : i32, i32, i32
  }
  func.func @transform_1(%arg0: i32) -> (i32, i32, i32) {
    %c0_i32 = arith.constant 0 : i32
    %c0_i32_0 = arith.constant 0 : i32
    %c0_i32_1 = arith.constant 0 : i32
    return %arg0, %c0_i32, %c0_i32_0 : i32, i32, i32
  }
  func.func @transform_2(%arg0: i32) -> (i32, i32, i32) {
    %c0_i32 = arith.constant 0 : i32
    %c0_i32_0 = arith.constant 0 : i32
    %c0_i32_1 = arith.constant 0 : i32
    return %arg0, %c0_i32, %c0_i32_0 : i32, i32, i32
  }
  func.func @transform_3(%arg0: i32) -> (i32, i32, i32) {
    %c0_i32 = arith.constant 0 : i32
    %c0_i32_0 = arith.constant 0 : i32
    %c0_i32_1 = arith.constant 0 : i32
    return %arg0, %c0_i32, %c0_i32_0 : i32, i32, i32
  }
  func.func @transform_4(%arg0: i32) -> (i32, i32) {
    %c0_i32 = arith.constant 0 : i32
    %c0_i32_0 = arith.constant 0 : i32
    %c0_i32_1 = arith.constant 0 : i32
    return %c0_i32, %c0_i32_0 : i32, i32
  }
  func.func @transform_5(%arg0: i32) -> (i32, i32) {
    %c0_i32 = arith.constant 0 : i32
    %c0_i32_0 = arith.constant 0 : i32
    %c0_i32_1 = arith.constant 0 : i32
    return %c0_i32, %c0_i32_0 : i32, i32
  }
  func.func @transform_6(%arg0: i32) -> (i32, i32) {
    %c0_i32 = arith.constant 0 : i32
    %c0_i32_0 = arith.constant 0 : i32
    %c0_i32_1 = arith.constant 0 : i32
    return %c0_i32, %c0_i32_0 : i32, i32
  }
  func.func @transform_7(%arg0: i32) -> (i32, i32) {
    %c0_i32 = arith.constant 0 : i32
    %c0_i32_0 = arith.constant 0 : i32
    %c0_i32_1 = arith.constant 0 : i32
    return %c0_i32, %c0_i32_0 : i32, i32
  }
  func.func @transform_8(%arg0: i32) -> (i32, i32) {
    %c0_i32 = arith.constant 0 : i32
    %c0_i32_0 = arith.constant 0 : i32
    %c0_i32_1 = arith.constant 0 : i32
    return %c0_i32, %c0_i32_0 : i32, i32
  }
  func.func @transform_9(%arg0: i32) -> (i32, i32) {
    %c0_i32 = arith.constant 0 : i32
    %c0_i32_0 = arith.constant 0 : i32
    %c0_i32_1 = arith.constant 0 : i32
    return %c0_i32, %c0_i32_0 : i32, i32
  }
  func.func @transform_10(%arg0: i32) -> (i32, i32) {
    %c0_i32 = arith.constant 0 : i32
    %c0_i32_0 = arith.constant 0 : i32
    %c0_i32_1 = arith.constant 0 : i32
    return %c0_i32, %c0_i32_0 : i32, i32
  }
  func.func @transform_11(%arg0: i32) -> (i32, i32) {
    %c0_i32 = arith.constant 0 : i32
    %c0_i32_0 = arith.constant 0 : i32
    %c0_i32_1 = arith.constant 0 : i32
    return %c0_i32, %c0_i32_0 : i32, i32
  }
  func.func @transform_12(%arg0: i32) -> (i32, i32) {
    %c0_i32 = arith.constant 0 : i32
    %c0_i32_0 = arith.constant 0 : i32
    %c0_i32_1 = arith.constant 0 : i32
    return %c0_i32, %c0_i32_0 : i32, i32
  }
  func.func @transform_13(%arg0: i32) -> (i32, i32) {
    %c0_i32 = arith.constant 0 : i32
    %c0_i32_0 = arith.constant 0 : i32
    %c0_i32_1 = arith.constant 0 : i32
    return %c0_i32, %c0_i32_0 : i32, i32
  }
  func.func @transform_14(%arg0: i32) -> (i32, i32) {
    %c0_i32 = arith.constant 0 : i32
    %c0_i32_0 = arith.constant 0 : i32
    %c0_i32_1 = arith.constant 0 : i32
    return %c0_i32, %c0_i32_0 : i32, i32
  }
  func.func @transform_15(%arg0: i32) -> (i32, i32) {
    %c0_i32 = arith.constant 0 : i32
    %c0_i32_0 = arith.constant 0 : i32
    %c0_i32_1 = arith.constant 0 : i32
    return %c0_i32, %c0_i32_0 : i32, i32
  }
  func.func @transform_16(%arg0: i32) -> (i32, i32) {
    %c0_i32 = arith.constant 0 : i32
    %c0_i32_0 = arith.constant 0 : i32
    %c0_i32_1 = arith.constant 0 : i32
    return %c0_i32, %c0_i32_0 : i32, i32
  }
  func.func @transform_17(%arg0: i32) -> (i32, i32) {
    %c0_i32 = arith.constant 0 : i32
    %c0_i32_0 = arith.constant 0 : i32
    %c0_i32_1 = arith.constant 0 : i32
    return %c0_i32, %c0_i32_0 : i32, i32
  }
  func.func @transform_18(%arg0: i32) -> (i32, i32, i32) {
    %c0_i32 = arith.constant 0 : i32
    %c0_i32_0 = arith.constant 0 : i32
    %c0_i32_1 = arith.constant 0 : i32
    return %arg0, %c0_i32, %c0_i32_0 : i32, i32, i32
  }
  func.func @transform_19(%arg0: i32) -> (i32, i32, i32) {
    %c0_i32 = arith.constant 0 : i32
    %c0_i32_0 = arith.constant 0 : i32
    %c0_i32_1 = arith.constant 0 : i32
    return %arg0, %c0_i32, %c0_i32_0 : i32, i32, i32
  }
}

</mosaic_0001>

<sc_bundles>
// kernel: sparse-core-data-format-call.cloned.1.call-start
scs
called_computation_lowered:
.L_overlay_start_0:
0x0: {  	s1 =	sld [smem:$0x3FD9]  }
0x1: {  	s2 =	sld [smem:$0x3FFE];
	_ =	sdelay $0x1  }
0x2: {  	s3 =	srdreg.scid  }
0x3: {  	s0 =	sand.u32 $0x1, s3  }
0x4: {  	s17 =	sshll.u32 s0, $0xA;
	s1 =	sadd.s32 s2, s1  }
0x5: {  	s1 =	sadd.s32 s1, s17  }
0x6: {  	[smem:$0x3FBB] =	sst s1  }
0x7: {  	_ = 	snop  }
0x8: {  	(tm) =	ssettm $0x1  }
0x9: {  	s18 =	sld [smem:$0x3FFB];
	_ =	sdelay $0x3  }
0xa: {  	_ =	strace s18  }
0xb: {  	s1 =	sld [smem:$0x3FFC];
	_ =	sdelay $0x3  }
0xc: {  	_ =	strace s1  }
0xd: {  	s1 =	sld [smem:$0x3FFD];
	_ =	sdelay $0x3  }
0xe: {  	_ =	strace s1  }
0xf: {  	_ =	strace $0x8FFFFFFF  }
0x10: {  	s19 =	sld [smem:$0x3FDB];
	_ =	sdelay $0x1  }
0x11: {  	s20 =	simm.s32 $_scs_section_size  }
0x12: {  	s4 =	simm.s32 $_size__tile_overlayer_lowered;
	s5 =	simm.s32 $_tile_overlayer_lowered  }
0x13: {  	s23 =	simm.s32 $0x1BFF;
	s22 =	sshll.u32 s5, $0x1;
	s1 =	sadd.s32 s20, s19  }
0x14: {  	s6 =	simm.s32 $0x0;
	s21 =	sshll.u32 s4, $0x1;
	s4 =	sadd.s32 s22, s1  }
0x15: {  	[timem:s6], [sflag:s23] =	dma.local [hbm:s4], s21  }
0x16: {  	_ =	swait.ge [sflag:s23], s21  }
0x17: {  	s2 =	ssub.s32 $0x0, s21;
	[sflag:s23] =	ssyncset.done $0x0  }
0x18: {  	[sflag:s23] =	ssyncadd.s32 s2;
	_ =	sdelay $0x1  }
0x19: {  	s24 =	simm.s32 $0x1B8B  }
0x1a: {  	_ =	swait.ge [sflag:s24], $0x1  }
0x1b: {  	[sflag:s24] =	ssyncset.done $0x0  }
0x1c: {  	s26 =	simm.s32 $0x1B8E;
	s25 =	sld [smem:$0x3FFE];
	[sflag:s24] =	ssyncadd.s32 $0xFFFFFFFF  }
0x1d: {  	s27 =	simm.s32 $execute0_lowered;
	[smem:$0x3FD2] =	sst s26  }
0x1e: {  	s4 =	sshll.u32 s27, $0x1;
	_ =	strace $0x80000046;
	[dreg:$0x1] =	wrdreg $0xFFFFFFFF  }
0x1f: {  	s28 =	simm.s32 $_size_execute0_lowered;
	s1 =	sadd.s32 s1, s4;
	[dreg:$0x0] =	wrdreg $0x0  }
0x20: {  	s4 =	sshll.u32 s28, $0x1;
	[dreg:$0x2] =	wrdreg s1  }
0x21: {  	[dreg:$0x3] =	wrdreg s4  }
0x22: {  	[dreg:$0x4] =	wrdreg $0xC0  }
0x23: {  	_ =	task [dreg:s6], $0x5FFFF  }
0x24: {  	[dreg:$0x1] =	wrdreg $0xFFFFFFFF  }
0x25: {  	[dreg:$0x0] =	wrdreg $0x60  }
0x26: {  	[dreg:$0x2] =	wrdreg s25  }
0x27: {  	[dreg:$0x3] =	wrdreg $0x9  }
0x28: {  	_ =	task.clear_ibuf [dreg:s6], $0x4FFFF;
	_ =	strace $0x90000046  }
0x29: {  	s29 =	simm.s32 $0x9;
	_ =	strace $0x80000048  }
0x2a: {  	_ =	swait.ge [sflag:s29], $0x1  }
0x2b: {  	[sflag:s29] =	ssyncadd.s32 $0xFFFFFFFF  }
0x2c: {  	_ =	strace $0x90000048  }
0x2d: {  	_ =	sfence  }
0x2e: {  	s30 =	sld [smem:$0x0];
	_ =	sdelay $0x2  }
0x2f: {  	s31 =	sshll.u32 s3, $0xD;
	s3 =	sshrl.u32 s3, $0x2  }
0x30: {  	s2 =	sand.u32 $0x4000, s31;
	s1 =	sadd.s32 s3, s30  }
0x31: {  	s0 =	sor.u32 s2, s0;
	s1 =	sshll.u32 s1, $0x11  }
0x32: {  	s0 =	sor.u32 s1, s0  }
0x33: {  	s0 =	sadd.s32 $0x8F2B, s0  }
0x34: {  	[sflag:s0] =	ssyncadd.remote.s32 $0x1  }
0x35: {  	_ =	sfence.sel $0xFFFF  }
0x36: {  	[dreg:$0x0] =	wrdreg $0xFFFFFFFF;
	(pc) =	sbr.abs _section_cstart, $3  }
0x37: {  	[dreg:$0x1] =	wrdreg $0xFFFFFFFF  }
0x38: {  	_ =	task.clear_ibuf [dreg:s6], $0x2FFFF;
	_ =	strace $0x9FFFFFFF  }
0x39: {  	(tm) =	ssettm $0x7FFFFFFF  }
tec
execute0_lowered:
.L_overlay_start_1:
0x0: {  	(tag) =	ssettag $0x1  }
0x1: {  	s0 =	srdreg.scid  }
0x2: {  	s1 =	rddreg [dreg:$0x0];
	s2 =	stileid.u32  }
0x3: {  	_ =	strace $0x80000047;
	s5 =	simm.s32 $0x1;
	s0 =	sshll.u32 s0, $0x4  }
0x4: {  	s7 =	simm.s32 $0x2;
	s16 =	simm.s32 $0x0;
	s0 =	sand.u32 $0x10, s0  }
0x5: {  	s11 =	simm.s32 $0x252000;
	s15 =	simm.s32 $0x0;
	s0 =	sor.u32 s2, s0  }
0x6: {  	s13 =	simm.s32 $0x0;
	s3 =	sadd.s32 $0x13D2C00, s1;
	s2 =	sshll.u32 s0, $0x7  }
0x7: {  	s14 =	simm.s32 $0x0;
	s4 =	sadd.s32 $0x12A9C00, s1;
	s0 =	ssub.s32 $0x4A400, s2  }
.Ltmp0:
0x8: {  	[sflag:s5] =	ssyncpa.u1 $0x0;
	s6 =	sand.u32 $0xF80, s0;
	(pc) =	sbr.rel .LBB1_1-.Ltmp0, $4  }
0x9: {  	s8 =	sadd.s32 $0x1D1AC00, s1;
	p0 =	sne.s32 s6, $0x0;
	s6 =	simm.s32 $0x1  }
0xa: {  	s9 =	sadd.s32 $0x21BEC00, s1;
	s0 =	sshrl.u32 s0, $0xC;
	s6 =	simm.s32 @!p0 $0x0  }
0xb: {  	[sflag:s7] =	ssyncpa.u1 $0x0;
	s7 =	sadd.s32 $0x1876C00, s1;
	s6 =	sadd.s32 s6, s0  }
0xc: {  	s12 =	smov.u32 s2;
	p0 =	por $0x0, $0x0;
	s10 =	sadd.s32 $0x1, s6  }
.LBB1_7:
0xd: {  	s0 =	sadd.s32 $0x1000, s12  }
0xe: {  	s15 =	sadd.s32 $0x4, s13;
	s17 =	smov.u32 s13;
	p2 =	sgt.s32 s0, $0x4A3FF  }
0xf: {  	s17 =	smov.u32 @p2 s15  }
0x10: {  	s0 =	smov.u32 @p2 s2;
	p2 =	sgt.s32 s17, $0x3  }
0x11: {  	s17 =	simm.s32 @p2 $0x0;
	p2 =	sne.s32 s14, s10  }
.Ltmp1:
0x12: {  	p1 =	slt.u32 s14, $0x2;
	(pc) =	sbr.rel @!p2 .LBB1_8-.Ltmp1, $4  }
0x13: {  	s1 =	simm.s32 @!p1 $0x2  }
0x14: {  	s16 =	smov.u32 s12;
	p0 =	por !p0, !p0;
	_ =	swait.ge @!p1 [sflag:s1], $0x1000  }
0x15: {  	s15 =	smov.u32 s13;
	[sflag:s1] =	ssyncset.done @!p1 $0x0;
	s12 =	smov.u32 s0  }
0x16: {  	s14 =	sadd.s32 $0x1, s14;
	[sflag:s1] =	ssyncadd.s32 @!p1 $0xFFFFF000;
	s13 =	smov.u32 s17  }
.LBB1_1:
0x17: {  	p1 =	sge.u32 s14, s6  }
0x18: {  	s0 =	sand.u32 @!p1 $0x1FFFFFF, s12  }
0x19: {  	s1 =	smulhi.u32 @!p1 $0x1B951E3, s0;
	_ =	sdelay $0x1  }
0x1a: {  	s1 =	sshrl.u32 @!p1 s1, $0xB  }
0x1b: {  	s1 =	smul.u32 @!p1 $0x4A400, s1  }
0x1c: {  	s17 =	sxor.u32 @!p1 $0xFFFFFFFF, s14;
	s18 =	smul.u32 @!p1 $0x4A4000, s13  }
0x1d: {  	s17 =	sshll.u32 @!p1 s17, $0xC;
	s0 =	ssub.s32 @!p1 s0, s1  }
0x1e: {  	s1 =	sand.u32 @!p1 $0x1000, s17;
	s17 =	sadd.s32 @!p1 s3, s18;
	s0 =	sshll.u32 @!p1 s0, $0x4  }
0x1f: {  	s19 =	simm.s32 @!p1 $0x8;
	s20 =	simm.s32 @!p1 $0x80;
	s17 =	sadd.s32 @!p1 s0, s17  }
0x20: {  	[tilespmem:s1], [sflag:$0x1] =	stream.strided.gather @!p1 [hbm4b:s17+s19], $0x400, s20, s19, $0x38;
	[tilespmem:$0x4040] =	vst v63  }
0x21: {  	s17 =	sadd.s32 @!p1 s18, s7  }
0x22: {  	s21 =	sor.u32 @!p1 $0x400, s1;
	s17 =	sadd.s32 @!p1 s0, s17  }
0x23: {  	[tilespmem:s21], [sflag:$0x1] =	stream.strided.gather @!p1 [hbm4b:s17+s19], $0x400, s20, s19, $0x38;
	[tilespmem:$0x4040] =	vst v63  }
0x24: {  	s17 =	sadd.s32 @!p1 s18, s8  }
0x25: {  	s21 =	sor.u32 @!p1 $0x800, s1;
	s17 =	sadd.s32 @!p1 s0, s17  }
0x26: {  	[tilespmem:s21], [sflag:$0x1] =	stream.strided.gather @!p1 [hbm4b:s17+s19], $0x400, s20, s19, $0x38;
	[tilespmem:$0x4040] =	vst v63  }
0x27: {  	s17 =	sadd.s32 @!p1 s18, s9  }
0x28: {  	s31 =	sadd.s32 $0xFFFFFFFF, s14;
	s1 =	sor.u32 @!p1 $0xC00, s1;
	s0 =	sadd.s32 @!p1 s0, s17  }
0x29: {  	[tilespmem:s1], [sflag:$0x1] =	stream.strided.gather @!p1 [hbm4b:s0+s19], $0x400, s20, s19, $0x38;
	[tilespmem:$0x4040] =	vst v63  }
0x2a: {  	p1 =	sge.u32 s31, s6  }
.Ltmp2:
0x2b: {  	_ = 	snop;
	(pc) =	sbr.rel @p1 .LBB1_7-.Ltmp2, $1  }
0x2c: {  	_ =	sdelay $0x3  }
0x2d: {  	s0 =	simm.s32 $0x1;
	s17 =	sand.u32 $0x1, s14  }
0x2e: {  	s0 =	simm.s32 @!p0 $0x0;
	s17 =	smul.u32 $0x4080, s17  }
0x2f: {  	_ =	swait.ge [sflag:s5], $0x1000;
	s1 =	smul.u32 $0x4080, s0  }
0x30: {  	s20 =	simm.s32 $0x0;
	[sflag:s5] =	ssyncset.done $0x0;
	s0 =	sshll.u32 s0, $0xC  }
0x31: {  	[sflag:s5] =	ssyncadd.s32 $0xFFFFF000;
	s31 =	sshrl.u32 s17, $0x2;
	s1 =	sshrl.u32 s1, $0x2  }
0x32: {  	s19 =	sor.u32 $0x20, s0;
	s17 =	sor.u32 $0x2000, s31;
	s18 =	sor.u32 $0x2007, s1  }
.LBB1_3:
0x33: {  	v0 =	vld.msk [tilespmem:s19+$0xFFFFFFE0], $0xff;
	_ =	sdelay $0x4  }
0x34: {  	[tilespmem:s18+$0xFFFFFFF9 ss:$0x81] =	vst.msk $0xff, v0  }
0x35: {  	v0 =	vld.msk [tilespmem:s19+$0xFFFFFFE8], $0xff  }
0x36: {  	s22 =	sadd.s32 $0x40, s19  }
0x37: {  	v1 =	vld.msk [tilespmem:s22+$0xFFFFFFE0], $0xff;
	_ =	sdelay $0x2  }
0x38: {  	[tilespmem:s18+$0xFFFFFFFA ss:$0x81] =	vst.msk $0xff, v0  }
0x39: {  	s21 =	sadd.s32 $0x8, s18;
	v0 =	vld.msk [tilespmem:s19+$0xFFFFFFF0], $0xff  }
0x3a: {  	[tilespmem:s21+$0xFFFFFFF9 ss:$0x81] =	vst.msk $0xff, v1  }
0x3b: {  	v1 =	vld.msk [tilespmem:s22+$0xFFFFFFE8], $0xff  }
0x3c: {  	s24 =	sadd.s32 $0x40, s22  }
0x3d: {  	v2 =	vld.msk [tilespmem:s24+$0xFFFFFFE0], $0xff  }
0x3e: {  	[tilespmem:s18+$0xFFFFFFFB ss:$0x81] =	vst.msk $0xff, v0  }
0x3f: {  	v0 =	vld.msk [tilespmem:s19+$0xFFFFFFF8], $0xff  }
0x40: {  	[tilespmem:s21+$0xFFFFFFFA ss:$0x81] =	vst.msk $0xff, v1  }
0x41: {  	s23 =	sadd.s32 $0x8, s21;
	v1 =	vld.msk [tilespmem:s22+$0xFFFFFFF0], $0xff  }
0x42: {  	[tilespmem:s23+$0xFFFFFFF9 ss:$0x81] =	vst.msk $0xff, v2  }
0x43: {  	s26 =	sadd.s32 $0x40, s24;
	v2 =	vld.msk [tilespmem:s24+$0xFFFFFFE8], $0xff  }
0x44: {  	[tilespmem:s18+$0xFFFFFFFC ss:$0x81] =	vst.msk $0xff, v0;
	v0 =	vld.msk [tilespmem:s26+$0xFFFFFFE0], $0xff  }
0x45: {  	v3 =	vld.msk [tilespmem:s19+$0x0], $0xff  }
0x46: {  	[tilespmem:s21+$0xFFFFFFFB ss:$0x81] =	vst.msk $0xff, v1  }
0x47: {  	v1 =	vld.msk [tilespmem:s22+$0xFFFFFFF8], $0xff  }
0x48: {  	s25 =	sadd.s32 $0x8, s23;
	[tilespmem:s23+$0xFFFFFFFA ss:$0x81] =	vst.msk $0xff, v2  }
0x49: {  	v2 =	vld.msk [tilespmem:s24+$0xFFFFFFF0], $0xff;
	[tilespmem:s25+$0xFFFFFFF9 ss:$0x81] =	vst.msk $0xff, v0  }
0x4a: {  	v0 =	vld.msk [tilespmem:s26+$0xFFFFFFE8], $0xff;
	[tilespmem:s18+$0xFFFFFFFD ss:$0x81] =	vst.msk $0xff, v3  }
0x4b: {  	s27 =	sadd.s32 $0x40, s26;
	v3 =	vld.msk [tilespmem:s19+$0x8], $0xff  }
0x4c: {  	[tilespmem:s21+$0xFFFFFFFC ss:$0x81] =	vst.msk $0xff, v1;
	v1 =	vld.msk [tilespmem:s27+$0xFFFFFFE0], $0xff  }
0x4d: {  	v4 =	vld.msk [tilespmem:s22+$0x0], $0xff  }
0x4e: {  	[tilespmem:s23+$0xFFFFFFFB ss:$0x81] =	vst.msk $0xff, v2  }
0x4f: {  	v2 =	vld.msk [tilespmem:s24+$0xFFFFFFF8], $0xff;
	[tilespmem:s25+$0xFFFFFFFA ss:$0x81] =	vst.msk $0xff, v0  }
0x50: {  	s28 =	sadd.s32 $0x8, s25;
	v0 =	vld.msk [tilespmem:s26+$0xFFFFFFF0], $0xff;
	[tilespmem:s18+$0xFFFFFFFE ss:$0x81] =	vst.msk $0xff, v3  }
0x51: {  	[tilespmem:s28+$0xFFFFFFF9 ss:$0x81] =	vst.msk $0xff, v1;
	v1 =	vld.msk [tilespmem:s19+$0x10], $0xff  }
0x52: {  	[tilespmem:s21+$0xFFFFFFFD ss:$0x81] =	vst.msk $0xff, v4;
	v3 =	vld.msk [tilespmem:s27+$0xFFFFFFE8], $0xff  }
0x53: {  	s29 =	sadd.s32 $0x40, s27;
	v4 =	vld.msk [tilespmem:s22+$0x8], $0xff  }
0x54: {  	[tilespmem:s23+$0xFFFFFFFC ss:$0x81] =	vst.msk $0xff, v2;
	v2 =	vld.msk [tilespmem:s29+$0xFFFFFFE0], $0xff  }
0x55: {  	v5 =	vld.msk [tilespmem:s24+$0x0], $0xff;
	[tilespmem:s25+$0xFFFFFFFB ss:$0x81] =	vst.msk $0xff, v0  }
0x56: {  	v6 =	vld.msk [tilespmem:s26+$0xFFFFFFF8], $0xff;
	[tilespmem:s18+$0xFFFFFFFF ss:$0x81] =	vst.msk $0xff, v1  }
0x57: {  	[tilespmem:s28+$0xFFFFFFFA ss:$0x81] =	vst.msk $0xff, v3;
	v0 =	vld.msk [tilespmem:s19+$0x18], $0xff  }
0x58: {  	s30 =	sadd.s32 $0x8, s28;
	[tilespmem:s21+$0xFFFFFFFE ss:$0x81] =	vst.msk $0xff, v4;
	v3 =	vld.msk [tilespmem:s27+$0xFFFFFFF0], $0xff  }
0x59: {  	[tilespmem:s30+$0xFFFFFFF9 ss:$0x81] =	vst.msk $0xff, v2;
	v1 =	vld.msk [tilespmem:s22+$0x10], $0xff  }
0x5a: {  	[tilespmem:s23+$0xFFFFFFFD ss:$0x81] =	vst.msk $0xff, v5;
	v4 =	vld.msk [tilespmem:s29+$0xFFFFFFE8], $0xff  }
0x5b: {  	s0 =	simm.s32 $0x28;
	s31 =	smov.u32 s18;
	s1 =	sadd.s32 $0x40, s29;
	v2 =	vld.msk [tilespmem:s24+$0x8], $0xff;
	[tilespmem:s25+$0xFFFFFFFC ss:$0x81] =	vst.msk $0xff, v6  }
.LBB1_4:
0x5c: {  	v5 =	vld.msk [tilespmem:s1+$0xFFFFFFE0], $0xff;
	[tilespmem:s31+$0x0 ss:$0x81] =	vst.msk $0xff, v0;
	s31 =	smov.u32 s21;
	s21 =	smov.u32 s23;
	s23 =	smov.u32 s25  }
0x5d: {  	s0 =	sadd.s32 $0x8, s0;
	s25 =	smov.u32 s28;
	[tilespmem:s28+$0xFFFFFFFB ss:$0x81] =	vst.msk $0xff, v3;
	v6 =	vld.msk [tilespmem:s26+$0x0], $0xff;
	s28 =	smov.u32 s30  }
0x5e: {  	p1 =	slt.u32 s0, $0x78;
	v7 =	vld.msk [tilespmem:s27+$0xFFFFFFF8], $0xff;
	[tilespmem:s31+$0xFFFFFFFF ss:$0x81] =	vst.msk $0xff, v1  }
.Ltmp3:
0x5f: {  	[tilespmem:s30+$0xFFFFFFFA ss:$0x81] =	vst.msk $0xff, v4;
	v0 =	vld.msk [tilespmem:s22+$0x18], $0xff;
	s22 =	smov.u32 s24;
	s24 =	smov.u32 s26;
	(pc) =	sbr.rel @p1 .LBB1_4-.Ltmp3, $4  }
0x60: {  	s30 =	sadd.s32 $0x8, s30;
	s26 =	smov.u32 s27;
	s27 =	smov.u32 s29;
	v3 =	vld.msk [tilespmem:s29+$0xFFFFFFF0], $0xff;
	[tilespmem:s21+$0xFFFFFFFE ss:$0x81] =	vst.msk $0xff, v2  }
0x61: {  	s29 =	smov.u32 s1;
	[tilespmem:s30+$0xFFFFFFF9 ss:$0x81] =	vst.msk $0xff, v5;
	v1 =	vld.msk [tilespmem:s22+$0x10], $0xff  }
0x62: {  	v4 =	vld.msk [tilespmem:s1+$0xFFFFFFE8], $0xff;
	[tilespmem:s23+$0xFFFFFFFD ss:$0x81] =	vst.msk $0xff, v6  }
0x63: {  	s1 =	sadd.s32 $0x40, s1;
	[tilespmem:s25+$0xFFFFFFFC ss:$0x81] =	vst.msk $0xff, v7;
	v2 =	vld.msk [tilespmem:s24+$0x8], $0xff  }
0x64: {  	_ =	sdelay $0x2  }
0x65: {  	[tilespmem:s30+$0xFFFFFFFA ss:$0x81] =	vst.msk $0xff, v4  }
0x66: {  	v4 =	vld.msk [tilespmem:s29+$0xFFFFFFF0], $0xff;
	_ =	sdelay $0x3  }
0x67: {  	[tilespmem:s28+$0xFFFFFFFB ss:$0x81] =	vst.msk $0xff, v3  }
0x68: {  	v3 =	vld.msk [tilespmem:s27+$0xFFFFFFF8], $0xff;
	[tilespmem:s30+$0xFFFFFFFB ss:$0x81] =	vst.msk $0xff, v4  }
0x69: {  	v4 =	vld.msk [tilespmem:s29+$0xFFFFFFF8], $0xff;
	_ =	sdelay $0x3  }
0x6a: {  	v5 =	vld.msk [tilespmem:s26+$0x0], $0xff;
	[tilespmem:s28+$0xFFFFFFFC ss:$0x81] =	vst.msk $0xff, v3  }
0x6b: {  	v3 =	vld.msk [tilespmem:s27+$0x0], $0xff;
	[tilespmem:s30+$0xFFFFFFFC ss:$0x81] =	vst.msk $0xff, v4  }
0x6c: {  	v4 =	vld.msk [tilespmem:s29+$0x0], $0xff;
	_ =	sdelay $0x2  }
0x6d: {  	[tilespmem:s25+$0xFFFFFFFD ss:$0x81] =	vst.msk $0xff, v5  }
0x6e: {  	v5 =	vld.msk [tilespmem:s26+$0x8], $0xff;
	[tilespmem:s28+$0xFFFFFFFD ss:$0x81] =	vst.msk $0xff, v3  }
0x6f: {  	v3 =	vld.msk [tilespmem:s27+$0x8], $0xff;
	[tilespmem:s30+$0xFFFFFFFD ss:$0x81] =	vst.msk $0xff, v4  }
0x70: {  	v4 =	vld.msk [tilespmem:s29+$0x8], $0xff;
	_ =	sdelay $0x1  }
0x71: {  	[tilespmem:s23+$0xFFFFFFFE ss:$0x81] =	vst.msk $0xff, v2  }
0x72: {  	v2 =	vld.msk [tilespmem:s24+$0x10], $0xff;
	[tilespmem:s25+$0xFFFFFFFE ss:$0x81] =	vst.msk $0xff, v5  }
0x73: {  	v5 =	vld.msk [tilespmem:s26+$0x10], $0xff;
	[tilespmem:s28+$0xFFFFFFFE ss:$0x81] =	vst.msk $0xff, v3  }
0x74: {  	v3 =	vld.msk [tilespmem:s27+$0x10], $0xff;
	[tilespmem:s30+$0xFFFFFFFE ss:$0x81] =	vst.msk $0xff, v4  }
0x75: {  	v4 =	vld.msk [tilespmem:s29+$0x10], $0xff  }
0x76: {  	[tilespmem:s21+$0xFFFFFFFF ss:$0x81] =	vst.msk $0xff, v1  }
0x77: {  	v1 =	vld.msk [tilespmem:s22+$0x18], $0xff;
	[tilespmem:s23+$0xFFFFFFFF ss:$0x81] =	vst.msk $0xff, v2  }
0x78: {  	v2 =	vld.msk [tilespmem:s24+$0x18], $0xff;
	[tilespmem:s25+$0xFFFFFFFF ss:$0x81] =	vst.msk $0xff, v5  }
0x79: {  	v61 =	vld.msk [tilespmem:s26+$0x18], $0xff;
	[tilespmem:s28+$0xFFFFFFFF ss:$0x81] =	vst.msk $0xff, v3  }
0x7a: {  	s20 =	sadd.s32 $0x1, s20;
	v62 =	vld.msk [tilespmem:s27+$0x18], $0xff;
	[tilespmem:s30+$0xFFFFFFFF ss:$0x81] =	vst.msk $0xff, v4  }
0x7b: {  	[tilespmem:s31+$0x0 ss:$0x81] =	vst.msk $0xff, v0;
	p1 =	sne.s32 s20, $0x4;
	v63 =	vld.msk [tilespmem:s29+$0x18], $0xff  }
.Ltmp4:
0x7c: {  	[tilespmem:s21+$0x0 ss:$0x81] =	vst.msk $0xff, v1;
	(pc) =	sbr.rel @p1 .LBB1_3-.Ltmp4, $4  }
0x7d: {  	[tilespmem:s23+$0x0 ss:$0x81] =	vst.msk $0xff, v2  }
0x7e: {  	[tilespmem:s25+$0x0 ss:$0x81] =	vst.msk $0xff, v61  }
0x7f: {  	[tilespmem:s28+$0x0 ss:$0x81] =	vst.msk $0xff, v62  }
0x80: {  	s18 =	sadd.s32 $0x408, s18;
	s19 =	sadd.s32 $0x400, s19;
	[tilespmem:s30+$0x0 ss:$0x81] =	vst.msk $0xff, v63  }
0x81: {  	s0 =	sshll.u32 s16, $0x3  }
0x82: {  	s1 =	sand.u32 $0x7F, s16;
	s29 =	sand.u32 $0xFFFFFC00, s0  }
0x83: {  	s0 =	smulhi.u32 $0xDCA8F159, s0;
	s1 =	sor.u32 s1, s29  }
0x84: {  	s16 =	smulhi.u32 $0xDCA8F159, s1;
	_ =	sdelay $0x1  }
0x85: {  	s15 =	smul.u32 $0x4A400, s15;
	s0 =	sshrl.u32 s0, $0x12;
	s16 =	sshrl.u32 s16, $0x12  }
0x86: {  	s0 =	sand.u32 $0x7, s0;
	s16 =	smul.u32 $0x4A400, s16  }
0x87: {  	s0 =	smul.u32 $0x9480, s0  }
.Ltmp5:
0x88: {  	s1 =	ssub.s32 s1, s16;
	(pc) =	sbr.rel .LBB1_7-.Ltmp5, $4  }
0x89: {  	s15 =	sadd.s32 s4, s15;
	s16 =	sand.u32 $0x7, s1  }
0x8a: {  	s0 =	sadd.s32 s0, s15;
	s1 =	sshrl.u32 s1, $0x3;
	s30 =	sshll.u32 s16, $0x12  }
0x8b: {  	s0 =	sadd.s32 s1, s0;
	s31 =	sor.u32 $0x400, s30  }
0x8c: {  	[hbm4b:s0+s31] =	stream.strided.scatter [tilespmem:s17], [sflag:$0x2], $0x1000, s11, s31, $0x20;
	[tilespmem:$0x4040] =	vst v63  }
.LBB1_8:
0x8d: {  	_ =	sfence.sel $0x180000  }
0x8e: {  	s0 =	simm.s32 $0x1;
	[bflag:$0x0] =	sbarrier.arrive $0xFFFF  }
0x8f: {  	s30 =	simm.s32 $0x2;
	[sflag:s0] =	ssyncpa.u1 $0x1  }
0x90: {  	[sflag:s30] =	ssyncpa.u1 $0x1  }
0x91: {  	_ =	strace $0x90000047  }
0x92: {  	s31 =	stileid.u32;
	[bflag:$0x2] =	sbarrier.arrive $0xFFFF  }
0x93: {  	p0 =	sne.s32 s31, $0x0;
	s0 =	rddreg [dreg:$0x1]  }
0x94: {  	s0 =	sadd.s32 @!p0 $0x100000, s0  }
0x95: {  	[sflag:s0] =	ssyncadd.tile.s32 @!p0 $0x1;
	_ =	shalt  }
.Lfunc_end1:
_tile_overlayer_lowered:
.L_overlay_start_2:
0x96: {  	(tag) =	ssettag $0x2  }
0x97: {  	s0 =	rddreg [dreg:$0x0];
	s2 =	stileid.u32  }
0x98: {  	s1 =	rddreg [dreg:$0x1];
	p0 =	sne.s32 s2, $0x0  }
0x99: {  	s3 =	rddreg [dreg:$0x2];
	[bflag:$0x3] =	sbarrier.arrive $0xFFFF;
	s2 =	simm.s32 @!p0 $0x1C01  }
0x9a: {  	[timem:s3], [sflag:s2] =	dma.local @!p0 [hbm:s0], s1  }
0x9b: {  	s0 =	simm.s32 @!p0 $0x1  }
0x9c: {  	_ =	swait.ge @!p0 [sflag:s0], s1  }
0x9d: {  	s1 =	ssub.s32 @!p0 $0x0, s1;
	[sflag:s0] =	ssyncset.done @!p0 $0x0  }
0x9e: {  	[sflag:s0] =	ssyncadd.s32 @!p0 s1  }
0x9f: {  	[bflag:$0x3] =	sbarrier.arrive $0xFFFF  }
0xa0: {  	_ =	shalt  }

</sc_bundles>
